<compile_context>
chip_gen: v7x
topology: tpu7x:2x2x1
jax: 0.10.2.dev20260603
libtpu: 0.0.44.dev20260713+nightly
codegen_flags: <defaults>
</compile_context>

<pallas_src>
import functools

import jax
import jax.numpy as jnp
from jax import lax
from jax.experimental import pallas as pl
from jax.experimental.pallas import tpu as pltpu
from jax.experimental.pallas import tpu_sc as plsc

N = 10000
E = 320000
D1 = 128
D2 = 16

NC = 2
NS = 16
NW = NC * NS
EPW = E // NW
CFG = {128: (40, 250, 5), 16: (80, 125, 5)}
NJUNK = 8
RPT = 624
RPT_LAST = N - (NS - 1) * RPT


def _make_sc_agg(D):
    B, STEPS, R = CFG[D]
    GROUPS = STEPS // R
    mesh = plsc.VectorSubcoreMesh(
        core_axis_name="c", subcore_axis_name="s", num_cores=NC, num_subcores=NS
    )

    @functools.partial(
        pl.kernel,
        out_type=jax.ShapeDtypeStruct((NC, N, D), jnp.float32),
        mesh=mesh,
        scratch_types=[
            pltpu.VMEM((STEPS, B), jnp.int32),
            pltpu.VMEM((STEPS, B), jnp.int32),
            [pltpu.VMEM((B, D), jnp.float32) for _ in range(R)],
            pltpu.VMEM_SHARED((N + NJUNK, D), jnp.float32),
            pltpu.SemaphoreType.DMA((R,)),
            pltpu.SemaphoreType.DMA((R,)),
        ],
        compiler_params=pltpu.CompilerParams(use_tc_tiling_on_sc=False),
    )
    def sc_agg(y_hbm, src_hbm, dst_hbm, zero_hbm, out_hbm,
               src_v, dst_v, rows, acc, gsem, ssem):
        c = lax.axis_index("c")
        s = lax.axis_index("s")
        wid = s * NC + c
        row0 = s * RPT

        @pl.when(s < NS - 1)
        def _():
            pltpu.async_copy(zero_hbm.at[pl.ds(row0, RPT)],
                             acc.at[pl.ds(row0, RPT)], ssem.at[0])

        @pl.when(s == NS - 1)
        def _():
            pltpu.async_copy(zero_hbm.at[pl.ds(row0, RPT_LAST)],
                             acc.at[pl.ds(row0, RPT_LAST)], ssem.at[0])

        pltpu.async_copy(src_hbm.at[wid], src_v, gsem.at[0])
        pltpu.async_copy(dst_hbm.at[wid], dst_v, gsem.at[1])
        pltpu.make_async_copy(src_hbm.at[wid], src_v, gsem.at[0]).wait()
        pltpu.make_async_copy(dst_hbm.at[wid], dst_v, gsem.at[1]).wait()

        @pl.when(s < NS - 1)
        def _():
            pltpu.make_async_copy(zero_hbm.at[pl.ds(row0, RPT)],
                                  acc.at[pl.ds(row0, RPT)], ssem.at[0]).wait()

        @pl.when(s == NS - 1)
        def _():
            pltpu.make_async_copy(zero_hbm.at[pl.ds(row0, RPT_LAST)],
                                  acc.at[pl.ds(row0, RPT_LAST)],
                                  ssem.at[0]).wait()

        plsc.subcore_barrier()

        for b in range(R):
            pltpu.async_copy(y_hbm.at[src_v.at[b]], rows[b], gsem.at[b])

        def group(g, carry):
            descs = []
            for b in range(R):
                j = g * R + b
                pltpu.make_async_copy(
                    y_hbm.at[src_v.at[j]], rows[b], gsem.at[b]).wait()
                descs.append(pltpu.async_copy(
                    rows[b], acc.at[dst_v.at[j]], ssem.at[b], add=True))
            for b in range(R):
                descs[b].wait()

                @pl.when(g + 1 < GROUPS)
                def _():
                    jn = (g + 1) * R + b
                    pltpu.async_copy(
                        y_hbm.at[src_v.at[jn]], rows[b], gsem.at[b])
            return carry

        lax.fori_loop(0, GROUPS, group, 0)
        plsc.subcore_barrier()

        @pl.when(s < NS - 1)
        def _():
            pltpu.sync_copy(acc.at[pl.ds(row0, RPT)],
                            out_hbm.at[c, pl.ds(row0, RPT)])

        @pl.when(s == NS - 1)
        def _():
            pltpu.sync_copy(acc.at[pl.ds(row0, RPT_LAST)],
                            out_hbm.at[c, pl.ds(row0, RPT_LAST)])

    return sc_agg


_sc_agg_d1 = _make_sc_agg(D1)
_sc_agg_d2 = _make_sc_agg(D2)


def _mid_body(p_ref, b1_ref, w1_ref, w2_ref, o_ref):
    agg = p_ref[0] + p_ref[1]
    h = jnp.maximum(
        jnp.dot(agg, w1_ref[...], preferred_element_type=jnp.float32)
        + b1_ref[...], 0.0)
    o_ref[...] = jnp.dot(h, w2_ref[...], preferred_element_type=jnp.float32)


def _fin_body(q_ref, b2_ref, o_ref):
    o_ref[...] = q_ref[0] + q_ref[1] + b2_ref[...]


def kernel(x, edge_index, W1, b1, W2, b2):
    ei = edge_index.astype(jnp.int32)
    b_1, s_1, _ = CFG[D1]
    b_2, s_2, _ = CFG[D2]
    src1 = ei[0].reshape(NW, s_1, b_1)
    dst1 = ei[1].reshape(NW, s_1, b_1)
    src2 = ei[0].reshape(NW, s_2, b_2)
    dst2 = ei[1].reshape(NW, s_2, b_2)
    z1 = jnp.zeros((N, D1), jnp.float32)
    z2 = jnp.zeros((N, D2), jnp.float32)

    p = _sc_agg_d1(x, src1, dst1, z1)
    y2 = pl.pallas_call(
        _mid_body,
        out_shape=jax.ShapeDtypeStruct((N, D2), jnp.float32),
    )(p, b1.reshape(1, D1), W1, W2)
    q = _sc_agg_d2(y2, src2, dst2, z2)
    qp = q.reshape(NC, N * D2 // 128, 128)
    b2p = jnp.tile(b2, 128 // D2).reshape(1, 128)
    outp = pl.pallas_call(
        _fin_body,
        out_shape=jax.ShapeDtypeStruct((N * D2 // 128, 128), jnp.float32),
    )(qp, b2p)
    return outp.reshape(N, D2)

# --- scband reference (transcript-rebuilt; emitter-appended) ---
"""Pipeline reference for scband-gcn-3504693313862 (READ-ONLY COPY).

The authoritative reference and input builder live on the scoring server;
editing this copy changes nothing except your own understanding.
"""

import jax, jax.numpy as jnp
import numpy as np

N_NODES = 10000
N_EDGES = 320000
IN_FEATS = 128
HIDDEN = 128
NUM_CLASSES = 16


def setup_inputs(seed: int = 0) -> dict:
    key = jax.random.key(seed)
    k_x, k_e, k_w1, k_b1, k_w2, k_b2 = jax.random.split(key, 6)
    x = jax.random.normal(k_x, (N_NODES, IN_FEATS), dtype=jnp.float32)
    edge_index = jax.random.randint(k_e, (2, N_EDGES), 0, N_NODES, dtype=jnp.int64)
    # nn.Linear params (weight stored as [out, in] in torch; we keep [in, out] for matmul)
    W1 = jax.random.normal(k_w1, (IN_FEATS, HIDDEN), dtype=jnp.float32) * (1.0 / np.sqrt(IN_FEATS))
    b1 = jax.random.normal(k_b1, (HIDDEN,), dtype=jnp.float32) * 0.01
    W2 = jax.random.normal(k_w2, (HIDDEN, NUM_CLASSES), dtype=jnp.float32) * (1.0 / np.sqrt(HIDDEN))
    b2 = jax.random.normal(k_b2, (NUM_CLASSES,), dtype=jnp.float32) * 0.01
    return {"x": x, "edge_index": edge_index, "W1": W1, "b1": b1, "W2": W2, "b2": b2}


def _gcn_layer(h, src, dst, W, b, n_nodes):
    # gcn_message: msg = src['h']  -> gather
    msgs = jnp.take(h, src, axis=0)
    # gcn_reduce: sum over mailbox -> scatter-add by dst node
    agg = jax.ops.segment_sum(msgs, dst, num_segments=n_nodes)
    # linear
    return agg @ W + b


def reference(x, edge_index, W1, b1, W2, b2):
    src = edge_index[0]
    dst = edge_index[1]
    n = x.shape[0]
    h = _gcn_layer(x, src, dst, W1, b1, n)
    h = jax.nn.relu(h)
    h = _gcn_layer(h, src, dst, W2, b2, n)
    return h

if __name__ == "__main__":
    import jax
    _d = setup_inputs()
    print(jax.jit(kernel)(*tuple(_d.values())))

</pallas_src>

<mosaic_0001>
#map = affine_map<(d0, d1) -> (0, 0)>
#map1 = affine_map<(d0, d1) -> (0, 0, 0)>
module attributes {stable_mosaic.version = 14 : i64} {
  func.func @sc_agg(%arg0: i32, %arg1: i32, %arg2: memref<10000x16xf32, #tpu.memory_space<hbm>>, %arg3: memref<32x125x80xi32, #tpu.memory_space<hbm>>, %arg4: memref<32x125x80xi32, #tpu.memory_space<hbm>>, %arg5: memref<10000x16xf32, #tpu.memory_space<hbm>>, %arg6: memref<2x10000x16xf32, #tpu.memory_space<hbm>>, %arg7: memref<125x80xi32, #tpu.memory_space<vmem>>, %arg8: memref<125x80xi32, #tpu.memory_space<vmem>>, %arg9: memref<80x16xf32, #tpu.memory_space<vmem>>, %arg10: memref<80x16xf32, #tpu.memory_space<vmem>>, %arg11: memref<80x16xf32, #tpu.memory_space<vmem>>, %arg12: memref<80x16xf32, #tpu.memory_space<vmem>>, %arg13: memref<80x16xf32, #tpu.memory_space<vmem>>, %arg14: memref<10008x16xf32, #tpu.memory_space<vmem_shared>>, %arg15: memref<5x!tpu.dma_semaphore, #tpu.memory_space<semaphore_mem>>, %arg16: memref<5x!tpu.dma_semaphore, #tpu.memory_space<semaphore_mem>>) attributes {dimension_semantics = [#tpu.dimension_semantics<core_parallel>, #tpu.dimension_semantics<subcore_parallel>], iteration_bounds = array<i64: 2, 16>, scalar_prefetch = 0 : i64, scratch_operands = 10 : i64, tpu.core_type = #tpu.core_type<sc_vector_subcore>, window_params = [{transform_indices = #map}, {transform_indices = #map1}, {transform_indices = #map1}, {transform_indices = #map}, {transform_indices = #map1}]} {
    %mul3A = arith.constant 2 : i32
    %mul3A_0 = arith.muli %arg1, %mul3A : i32
    %add3A = arith.addi %mul3A_0, %arg0 : i32
    %mul3A_1 = arith.constant 624 : i32
    %mul3A_2 = arith.muli %arg1, %mul3A_1 : i32
    %lt3A = arith.constant 15 : i32
    %lt3A_3 = arith.cmpi slt, %arg1, %lt3A : i32
    %convert_element_type3A = arith.extui %lt3A_3 : i1 to i32
    %cond3A = arith.constant 0 : i32
    %cond3A_4 = arith.cmpi ne, %convert_element_type3A, %cond3A : i32
    scf.if %cond3A_4 {
      %dma_start3A_127 = arith.constant 0 : i32
      %dma_start3A_128 = tpu.memref_slice %arg16[%dma_start3A_127] : memref<5x!tpu.dma_semaphore, #tpu.memory_space<semaphore_mem>> -> memref<1x!tpu.dma_semaphore, #tpu.memory_space<semaphore_mem>>
      %dma_start3A_129 = tpu.memref_squeeze %dma_start3A_128 : memref<1x!tpu.dma_semaphore, #tpu.memory_space<semaphore_mem>> -> memref<!tpu.dma_semaphore, #tpu.memory_space<semaphore_mem>>
      %dma_start3A_130 = arith.constant 0 : i32
      %dma_start3A_131 = tpu.memref_slice %arg14[%mul3A_2, %dma_start3A_130] : memref<10008x16xf32, #tpu.memory_space<vmem_shared>> -> memref<624x16xf32, #tpu.memory_space<vmem_shared>>
      %dma_start3A_132 = arith.constant 0 : i32
      %dma_start3A_133 = tpu.memref_slice %arg5[%mul3A_2, %dma_start3A_132] : memref<10000x16xf32, #tpu.memory_space<hbm>> -> memref<624x16xf32, #tpu.memory_space<hbm>>
      tpu.enqueue_dma source(%dma_start3A_133 : memref<624x16xf32, #tpu.memory_space<hbm>>) target(%dma_start3A_131 : memref<624x16xf32, #tpu.memory_space<vmem_shared>>) target_semaphore(%dma_start3A_129 : memref<!tpu.dma_semaphore, #tpu.memory_space<semaphore_mem>>)
    } else {
    }
    %eq3A = arith.constant 15 : i32
    %eq3A_5 = arith.cmpi eq, %arg1, %eq3A : i32
    %convert_element_type3A_6 = arith.extui %eq3A_5 : i1 to i32
    %cond3A_7 = arith.constant 0 : i32
    %cond3A_8 = arith.cmpi ne, %convert_element_type3A_6, %cond3A_7 : i32
    scf.if %cond3A_8 {
      %dma_start3A_127 = arith.constant 0 : i32
      %dma_start3A_128 = tpu.memref_slice %arg16[%dma_start3A_127] : memref<5x!tpu.dma_semaphore, #tpu.memory_space<semaphore_mem>> -> memref<1x!tpu.dma_semaphore, #tpu.memory_space<semaphore_mem>>
      %dma_start3A_129 = tpu.memref_squeeze %dma_start3A_128 : memref<1x!tpu.dma_semaphore, #tpu.memory_space<semaphore_mem>> -> memref<!tpu.dma_semaphore, #tpu.memory_space<semaphore_mem>>
      %dma_start3A_130 = arith.constant 0 : i32
      %dma_start3A_131 = tpu.memref_slice %arg14[%mul3A_2, %dma_start3A_130] : memref<10008x16xf32, #tpu.memory_space<vmem_shared>> -> memref<640x16xf32, #tpu.memory_space<vmem_shared>>
      %dma_start3A_132 = arith.constant 0 : i32
      %dma_start3A_133 = tpu.memref_slice %arg5[%mul3A_2, %dma_start3A_132] : memref<10000x16xf32, #tpu.memory_space<hbm>> -> memref<640x16xf32, #tpu.memory_space<hbm>>
      tpu.enqueue_dma source(%dma_start3A_133 : memref<640x16xf32, #tpu.memory_space<hbm>>) target(%dma_start3A_131 : memref<640x16xf32, #tpu.memory_space<vmem_shared>>) target_semaphore(%dma_start3A_129 : memref<!tpu.dma_semaphore, #tpu.memory_space<semaphore_mem>>)
    } else {
    }
    %dma_start3A = arith.constant 0 : i32
    %dma_start3A_9 = arith.constant 0 : i32
    %dma_start3A_10 = arith.constant 0 : i32
    %dma_start3A_11 = tpu.memref_slice %arg3[%add3A, %dma_start3A_9, %dma_start3A_10] : memref<32x125x80xi32, #tpu.memory_space<hbm>> -> memref<1x125x80xi32, #tpu.memory_space<hbm>>
    %dma_start3A_12 = tpu.memref_squeeze %dma_start3A_11 : memref<1x125x80xi32, #tpu.memory_space<hbm>> -> memref<125x80xi32, #tpu.memory_space<hbm>>
    %dma_start3A_13 = tpu.memref_slice %arg15[%dma_start3A] : memref<5x!tpu.dma_semaphore, #tpu.memory_space<semaphore_mem>> -> memref<1x!tpu.dma_semaphore, #tpu.memory_space<semaphore_mem>>
    %dma_start3A_14 = tpu.memref_squeeze %dma_start3A_13 : memref<1x!tpu.dma_semaphore, #tpu.memory_space<semaphore_mem>> -> memref<!tpu.dma_semaphore, #tpu.memory_space<semaphore_mem>>
    %dma_start3A_15 = arith.constant 0 : i32
    %dma_start3A_16 = arith.constant 0 : i32
    %dma_start3A_17 = tpu.memref_slice %arg3[%add3A, %dma_start3A_15, %dma_start3A_16] : memref<32x125x80xi32, #tpu.memory_space<hbm>> -> memref<1x125x80xi32, #tpu.memory_space<hbm>>
    %dma_start3A_18 = tpu.memref_squeeze %dma_start3A_17 : memref<1x125x80xi32, #tpu.memory_space<hbm>> -> memref<125x80xi32, #tpu.memory_space<hbm>>
    tpu.enqueue_dma source(%dma_start3A_18 : memref<125x80xi32, #tpu.memory_space<hbm>>) target(%arg7 : memref<125x80xi32, #tpu.memory_space<vmem>>) target_semaphore(%dma_start3A_14 : memref<!tpu.dma_semaphore, #tpu.memory_space<semaphore_mem>>)
    %dma_start3A_19 = arith.constant 1 : i32
    %dma_start3A_20 = arith.constant 0 : i32
    %dma_start3A_21 = arith.constant 0 : i32
    %dma_start3A_22 = tpu.memref_slice %arg4[%add3A, %dma_start3A_20, %dma_start3A_21] : memref<32x125x80xi32, #tpu.memory_space<hbm>> -> memref<1x125x80xi32, #tpu.memory_space<hbm>>
    %dma_start3A_23 = tpu.memref_squeeze %dma_start3A_22 : memref<1x125x80xi32, #tpu.memory_space<hbm>> -> memref<125x80xi32, #tpu.memory_space<hbm>>
    %dma_start3A_24 = tpu.memref_slice %arg15[%dma_start3A_19] : memref<5x!tpu.dma_semaphore, #tpu.memory_space<semaphore_mem>> -> memref<1x!tpu.dma_semaphore, #tpu.memory_space<semaphore_mem>>
    %dma_start3A_25 = tpu.memref_squeeze %dma_start3A_24 : memref<1x!tpu.dma_semaphore, #tpu.memory_space<semaphore_mem>> -> memref<!tpu.dma_semaphore, #tpu.memory_space<semaphore_mem>>
    %dma_start3A_26 = arith.constant 0 : i32
    %dma_start3A_27 = arith.constant 0 : i32
    %dma_start3A_28 = tpu.memref_slice %arg4[%add3A, %dma_start3A_26, %dma_start3A_27] : memref<32x125x80xi32, #tpu.memory_space<hbm>> -> memref<1x125x80xi32, #tpu.memory_space<hbm>>
    %dma_start3A_29 = tpu.memref_squeeze %dma_start3A_28 : memref<1x125x80xi32, #tpu.memory_space<hbm>> -> memref<125x80xi32, #tpu.memory_space<hbm>>
    tpu.enqueue_dma source(%dma_start3A_29 : memref<125x80xi32, #tpu.memory_space<hbm>>) target(%arg8 : memref<125x80xi32, #tpu.memory_space<vmem>>) target_semaphore(%dma_start3A_25 : memref<!tpu.dma_semaphore, #tpu.memory_space<semaphore_mem>>)
    %dma_wait3A = arith.constant 0 : i32
    %dma_wait3A_30 = arith.constant 0 : i32
    %dma_wait3A_31 = arith.constant 0 : i32
    %dma_wait3A_32 = tpu.memref_slice %arg3[%add3A, %dma_wait3A_30, %dma_wait3A_31] : memref<32x125x80xi32, #tpu.memory_space<hbm>> -> memref<1x125x80xi32, #tpu.memory_space<hbm>>
    %dma_wait3A_33 = tpu.memref_squeeze %dma_wait3A_32 : memref<1x125x80xi32, #tpu.memory_space<hbm>> -> memref<125x80xi32, #tpu.memory_space<hbm>>
    %dma_wait3A_34 = tpu.memref_slice %arg15[%dma_wait3A] : memref<5x!tpu.dma_semaphore, #tpu.memory_space<semaphore_mem>> -> memref<1x!tpu.dma_semaphore, #tpu.memory_space<semaphore_mem>>
    %dma_wait3A_35 = tpu.memref_squeeze %dma_wait3A_34 : memref<1x!tpu.dma_semaphore, #tpu.memory_space<semaphore_mem>> -> memref<!tpu.dma_semaphore, #tpu.memory_space<semaphore_mem>>
    %dma_wait3A_36 = arith.constant 0 : i32
    %dma_wait3A_37 = arith.constant 0 : i32
    %dma_wait3A_38 = tpu.memref_slice %arg3[%add3A, %dma_wait3A_36, %dma_wait3A_37] : memref<32x125x80xi32, #tpu.memory_space<hbm>> -> memref<1x125x80xi32, #tpu.memory_space<hbm>>
    %dma_wait3A_39 = tpu.memref_squeeze %dma_wait3A_38 : memref<1x125x80xi32, #tpu.memory_space<hbm>> -> memref<125x80xi32, #tpu.memory_space<hbm>>
    tpu.wait_dma2 semaphore(%dma_wait3A_35 : memref<!tpu.dma_semaphore, #tpu.memory_space<semaphore_mem>>) src(%dma_wait3A_39 : memref<125x80xi32, #tpu.memory_space<hbm>>) dst(%arg7 : memref<125x80xi32, #tpu.memory_space<vmem>>)
    %dma_wait3A_40 = arith.constant 1 : i32
    %dma_wait3A_41 = arith.constant 0 : i32
    %dma_wait3A_42 = arith.constant 0 : i32
    %dma_wait3A_43 = tpu.memref_slice %arg4[%add3A, %dma_wait3A_41, %dma_wait3A_42] : memref<32x125x80xi32, #tpu.memory_space<hbm>> -> memref<1x125x80xi32, #tpu.memory_space<hbm>>
    %dma_wait3A_44 = tpu.memref_squeeze %dma_wait3A_43 : memref<1x125x80xi32, #tpu.memory_space<hbm>> -> memref<125x80xi32, #tpu.memory_space<hbm>>
    %dma_wait3A_45 = tpu.memref_slice %arg15[%dma_wait3A_40] : memref<5x!tpu.dma_semaphore, #tpu.memory_space<semaphore_mem>> -> memref<1x!tpu.dma_semaphore, #tpu.memory_space<semaphore_mem>>
    %dma_wait3A_46 = tpu.memref_squeeze %dma_wait3A_45 : memref<1x!tpu.dma_semaphore, #tpu.memory_space<semaphore_mem>> -> memref<!tpu.dma_semaphore, #tpu.memory_space<semaphore_mem>>
    %dma_wait3A_47 = arith.constant 0 : i32
    %dma_wait3A_48 = arith.constant 0 : i32
    %dma_wait3A_49 = tpu.memref_slice %arg4[%add3A, %dma_wait3A_47, %dma_wait3A_48] : memref<32x125x80xi32, #tpu.memory_space<hbm>> -> memref<1x125x80xi32, #tpu.memory_space<hbm>>
    %dma_wait3A_50 = tpu.memref_squeeze %dma_wait3A_49 : memref<1x125x80xi32, #tpu.memory_space<hbm>> -> memref<125x80xi32, #tpu.memory_space<hbm>>
    tpu.wait_dma2 semaphore(%dma_wait3A_46 : memref<!tpu.dma_semaphore, #tpu.memory_space<semaphore_mem>>) src(%dma_wait3A_50 : memref<125x80xi32, #tpu.memory_space<hbm>>) dst(%arg8 : memref<125x80xi32, #tpu.memory_space<vmem>>)
    %lt3A_51 = arith.constant 15 : i32
    %lt3A_52 = arith.cmpi slt, %arg1, %lt3A_51 : i32
    %convert_element_type3A_53 = arith.extui %lt3A_52 : i1 to i32
    %cond3A_54 = arith.constant 0 : i32
    %cond3A_55 = arith.cmpi ne, %convert_element_type3A_53, %cond3A_54 : i32
    scf.if %cond3A_55 {
      %dma_wait3A_127 = arith.constant 0 : i32
      %dma_wait3A_128 = tpu.memref_slice %arg16[%dma_wait3A_127] : memref<5x!tpu.dma_semaphore, #tpu.memory_space<semaphore_mem>> -> memref<1x!tpu.dma_semaphore, #tpu.memory_space<semaphore_mem>>
      %dma_wait3A_129 = tpu.memref_squeeze %dma_wait3A_128 : memref<1x!tpu.dma_semaphore, #tpu.memory_space<semaphore_mem>> -> memref<!tpu.dma_semaphore, #tpu.memory_space<semaphore_mem>>
      %dma_wait3A_130 = arith.constant 0 : i32
      %dma_wait3A_131 = tpu.memref_slice %arg14[%mul3A_2, %dma_wait3A_130] : memref<10008x16xf32, #tpu.memory_space<vmem_shared>> -> memref<624x16xf32, #tpu.memory_space<vmem_shared>>
      %dma_wait3A_132 = arith.constant 0 : i32
      %dma_wait3A_133 = tpu.memref_slice %arg5[%mul3A_2, %dma_wait3A_132] : memref<10000x16xf32, #tpu.memory_space<hbm>> -> memref<624x16xf32, #tpu.memory_space<hbm>>
      tpu.wait_dma2 semaphore(%dma_wait3A_129 : memref<!tpu.dma_semaphore, #tpu.memory_space<semaphore_mem>>) src(%dma_wait3A_133 : memref<624x16xf32, #tpu.memory_space<hbm>>) dst(%dma_wait3A_131 : memref<624x16xf32, #tpu.memory_space<vmem_shared>>)
    } else {
    }
    %eq3A_56 = arith.constant 15 : i32
    %eq3A_57 = arith.cmpi eq, %arg1, %eq3A_56 : i32
    %convert_element_type3A_58 = arith.extui %eq3A_57 : i1 to i32
    %cond3A_59 = arith.constant 0 : i32
    %cond3A_60 = arith.cmpi ne, %convert_element_type3A_58, %cond3A_59 : i32
    scf.if %cond3A_60 {
      %dma_wait3A_127 = arith.constant 0 : i32
      %dma_wait3A_128 = tpu.memref_slice %arg16[%dma_wait3A_127] : memref<5x!tpu.dma_semaphore, #tpu.memory_space<semaphore_mem>> -> memref<1x!tpu.dma_semaphore, #tpu.memory_space<semaphore_mem>>
      %dma_wait3A_129 = tpu.memref_squeeze %dma_wait3A_128 : memref<1x!tpu.dma_semaphore, #tpu.memory_space<semaphore_mem>> -> memref<!tpu.dma_semaphore, #tpu.memory_space<semaphore_mem>>
      %dma_wait3A_130 = arith.constant 0 : i32
      %dma_wait3A_131 = tpu.memref_slice %arg14[%mul3A_2, %dma_wait3A_130] : memref<10008x16xf32, #tpu.memory_space<vmem_shared>> -> memref<640x16xf32, #tpu.memory_space<vmem_shared>>
      %dma_wait3A_132 = arith.constant 0 : i32
      %dma_wait3A_133 = tpu.memref_slice %arg5[%mul3A_2, %dma_wait3A_132] : memref<10000x16xf32, #tpu.memory_space<hbm>> -> memref<640x16xf32, #tpu.memory_space<hbm>>
      tpu.wait_dma2 semaphore(%dma_wait3A_129 : memref<!tpu.dma_semaphore, #tpu.memory_space<semaphore_mem>>) src(%dma_wait3A_133 : memref<640x16xf32, #tpu.memory_space<hbm>>) dst(%dma_wait3A_131 : memref<640x16xf32, #tpu.memory_space<vmem_shared>>)
    } else {
    }
    %barrier3A = arith.constant 0 : index
    tpu.barrier barrier_id(%barrier3A)
    %dma_start3A_61 = arith.constant 0 : i32
    %dma_start3A_62 = arith.constant 0 : i32
    %dma_start3A_63 = arith.constant 0 : i32
    %dma_start3A_64 = tpu.memref_slice %arg7[%dma_start3A_61, %dma_start3A_63] : memref<125x80xi32, #tpu.memory_space<vmem>> -> memref<1x80xi32, #tpu.memory_space<vmem>>
    %dma_start3A_65 = tpu.memref_squeeze %dma_start3A_64 : memref<1x80xi32, #tpu.memory_space<vmem>> -> memref<80xi32, #tpu.memory_space<vmem>>
    %dma_start3A_66 = arith.constant 0 : i32
    %dma_start3A_67 = arith.constant 0 : i32
    %dma_start3A_68 = tpu.memref_slice %arg2[%dma_start3A_66, %dma_start3A_67] : memref<10000x16xf32, #tpu.memory_space<hbm>> -> memref<10000x16xf32, #tpu.memory_space<hbm>>
    %dma_start3A_69 = tpu.memref_slice %arg15[%dma_start3A_62] : memref<5x!tpu.dma_semaphore, #tpu.memory_space<semaphore_mem>> -> memref<1x!tpu.dma_semaphore, #tpu.memory_space<semaphore_mem>>
    %dma_start3A_70 = tpu.memref_squeeze %dma_start3A_69 : memref<1x!tpu.dma_semaphore, #tpu.memory_space<semaphore_mem>> -> memref<!tpu.dma_semaphore, #tpu.memory_space<semaphore_mem>>
    tpu.enqueue_indirect_dma source(%dma_start3A_68 : memref<10000x16xf32, #tpu.memory_space<hbm>>) target(%arg9 : memref<80x16xf32, #tpu.memory_space<vmem>>) offsets(%dma_start3A_65 : memref<80xi32, #tpu.memory_space<vmem>>) semaphore(%dma_start3A_70 : memref<!tpu.dma_semaphore, #tpu.memory_space<semaphore_mem>>)
    %dma_start3A_71 = arith.constant 1 : i32
    %dma_start3A_72 = arith.constant 1 : i32
    %dma_start3A_73 = arith.constant 0 : i32
    %dma_start3A_74 = tpu.memref_slice %arg7[%dma_start3A_71, %dma_start3A_73] : memref<125x80xi32, #tpu.memory_space<vmem>> -> memref<1x80xi32, #tpu.memory_space<vmem>>
    %dma_start3A_75 = tpu.memref_squeeze %dma_start3A_74 : memref<1x80xi32, #tpu.memory_space<vmem>> -> memref<80xi32, #tpu.memory_space<vmem>>
    %dma_start3A_76 = arith.constant 0 : i32
    %dma_start3A_77 = arith.constant 0 : i32
    %dma_start3A_78 = tpu.memref_slice %arg2[%dma_start3A_76, %dma_start3A_77] : memref<10000x16xf32, #tpu.memory_space<hbm>> -> memref<10000x16xf32, #tpu.memory_space<hbm>>
    %dma_start3A_79 = tpu.memref_slice %arg15[%dma_start3A_72] : memref<5x!tpu.dma_semaphore, #tpu.memory_space<semaphore_mem>> -> memref<1x!tpu.dma_semaphore, #tpu.memory_space<semaphore_mem>>
    %dma_start3A_80 = tpu.memref_squeeze %dma_start3A_79 : memref<1x!tpu.dma_semaphore, #tpu.memory_space<semaphore_mem>> -> memref<!tpu.dma_semaphore, #tpu.memory_space<semaphore_mem>>
    tpu.enqueue_indirect_dma source(%dma_start3A_78 : memref<10000x16xf32, #tpu.memory_space<hbm>>) target(%arg10 : memref<80x16xf32, #tpu.memory_space<vmem>>) offsets(%dma_start3A_75 : memref<80xi32, #tpu.memory_space<vmem>>) semaphore(%dma_start3A_80 : memref<!tpu.dma_semaphore, #tpu.memory_space<semaphore_mem>>)
    %dma_start3A_81 = arith.constant 2 : i32
    %dma_start3A_82 = arith.constant 2 : i32
    %dma_start3A_83 = arith.constant 0 : i32
    %dma_start3A_84 = tpu.memref_slice %arg7[%dma_start3A_81, %dma_start3A_83] : memref<125x80xi32, #tpu.memory_space<vmem>> -> memref<1x80xi32, #tpu.memory_space<vmem>>
    %dma_start3A_85 = tpu.memref_squeeze %dma_start3A_84 : memref<1x80xi32, #tpu.memory_space<vmem>> -> memref<80xi32, #tpu.memory_space<vmem>>
    %dma_start3A_86 = arith.constant 0 : i32
    %dma_start3A_87 = arith.constant 0 : i32
    %dma_start3A_88 = tpu.memref_slice %arg2[%dma_start3A_86, %dma_start3A_87] : memref<10000x16xf32, #tpu.memory_space<hbm>> -> memref<10000x16xf32, #tpu.memory_space<hbm>>
    %dma_start3A_89 = tpu.memref_slice %arg15[%dma_start3A_82] : memref<5x!tpu.dma_semaphore, #tpu.memory_space<semaphore_mem>> -> memref<1x!tpu.dma_semaphore, #tpu.memory_space<semaphore_mem>>
    %dma_start3A_90 = tpu.memref_squeeze %dma_start3A_89 : memref<1x!tpu.dma_semaphore, #tpu.memory_space<semaphore_mem>> -> memref<!tpu.dma_semaphore, #tpu.memory_space<semaphore_mem>>
    tpu.enqueue_indirect_dma source(%dma_start3A_88 : memref<10000x16xf32, #tpu.memory_space<hbm>>) target(%arg11 : memref<80x16xf32, #tpu.memory_space<vmem>>) offsets(%dma_start3A_85 : memref<80xi32, #tpu.memory_space<vmem>>) semaphore(%dma_start3A_90 : memref<!tpu.dma_semaphore, #tpu.memory_space<semaphore_mem>>)
    %dma_start3A_91 = arith.constant 3 : i32
    %dma_start3A_92 = arith.constant 3 : i32
    %dma_start3A_93 = arith.constant 0 : i32
    %dma_start3A_94 = tpu.memref_slice %arg7[%dma_start3A_91, %dma_start3A_93] : memref<125x80xi32, #tpu.memory_space<vmem>> -> memref<1x80xi32, #tpu.memory_space<vmem>>
    %dma_start3A_95 = tpu.memref_squeeze %dma_start3A_94 : memref<1x80xi32, #tpu.memory_space<vmem>> -> memref<80xi32, #tpu.memory_space<vmem>>
    %dma_start3A_96 = arith.constant 0 : i32
    %dma_start3A_97 = arith.constant 0 : i32
    %dma_start3A_98 = tpu.memref_slice %arg2[%dma_start3A_96, %dma_start3A_97] : memref<10000x16xf32, #tpu.memory_space<hbm>> -> memref<10000x16xf32, #tpu.memory_space<hbm>>
    %dma_start3A_99 = tpu.memref_slice %arg15[%dma_start3A_92] : memref<5x!tpu.dma_semaphore, #tpu.memory_space<semaphore_mem>> -> memref<1x!tpu.dma_semaphore, #tpu.memory_space<semaphore_mem>>
    %dma_start3A_100 = tpu.memref_squeeze %dma_start3A_99 : memref<1x!tpu.dma_semaphore, #tpu.memory_space<semaphore_mem>> -> memref<!tpu.dma_semaphore, #tpu.memory_space<semaphore_mem>>
    tpu.enqueue_indirect_dma source(%dma_start3A_98 : memref<10000x16xf32, #tpu.memory_space<hbm>>) target(%arg12 : memref<80x16xf32, #tpu.memory_space<vmem>>) offsets(%dma_start3A_95 : memref<80xi32, #tpu.memory_space<vmem>>) semaphore(%dma_start3A_100 : memref<!tpu.dma_semaphore, #tpu.memory_space<semaphore_mem>>)
    %dma_start3A_101 = arith.constant 4 : i32
    %dma_start3A_102 = arith.constant 4 : i32
    %dma_start3A_103 = arith.constant 0 : i32
    %dma_start3A_104 = tpu.memref_slice %arg7[%dma_start3A_101, %dma_start3A_103] : memref<125x80xi32, #tpu.memory_space<vmem>> -> memref<1x80xi32, #tpu.memory_space<vmem>>
    %dma_start3A_105 = tpu.memref_squeeze %dma_start3A_104 : memref<1x80xi32, #tpu.memory_space<vmem>> -> memref<80xi32, #tpu.memory_space<vmem>>
    %dma_start3A_106 = arith.constant 0 : i32
    %dma_start3A_107 = arith.constant 0 : i32
    %dma_start3A_108 = tpu.memref_slice %arg2[%dma_start3A_106, %dma_start3A_107] : memref<10000x16xf32, #tpu.memory_space<hbm>> -> memref<10000x16xf32, #tpu.memory_space<hbm>>
    %dma_start3A_109 = tpu.memref_slice %arg15[%dma_start3A_102] : memref<5x!tpu.dma_semaphore, #tpu.memory_space<semaphore_mem>> -> memref<1x!tpu.dma_semaphore, #tpu.memory_space<semaphore_mem>>
    %dma_start3A_110 = tpu.memref_squeeze %dma_start3A_109 : memref<1x!tpu.dma_semaphore, #tpu.memory_space<semaphore_mem>> -> memref<!tpu.dma_semaphore, #tpu.memory_space<semaphore_mem>>
    tpu.enqueue_indirect_dma source(%dma_start3A_108 : memref<10000x16xf32, #tpu.memory_space<hbm>>) target(%arg13 : memref<80x16xf32, #tpu.memory_space<vmem>>) offsets(%dma_start3A_105 : memref<80xi32, #tpu.memory_space<vmem>>) semaphore(%dma_start3A_110 : memref<!tpu.dma_semaphore, #tpu.memory_space<semaphore_mem>>)
    %scan3A = arith.constant 0 : i32
    %scan3A_111 = arith.constant 0 : i32
    %scan3A_112 = arith.constant 25 : i32
    %scan3A_113 = arith.addi %scan3A_111, %scan3A_112 : i32
    %scan3A_114 = arith.constant 1 : i32
    scf.for %scan3A_127 = %scan3A_111 to %scan3A_113 step %scan3A_114  : i32 {
      %mul3A_128 = arith.constant 5 : i32
      %mul3A_129 = arith.muli %scan3A_127, %mul3A_128 : i32
      %add3A_130 = arith.constant 0 : i32
      %add3A_131 = arith.addi %mul3A_129, %add3A_130 : i32
      %dma_wait3A_132 = arith.constant 0 : i32
      %dma_wait3A_133 = arith.constant 0 : i32
      %dma_wait3A_134 = tpu.memref_slice %arg7[%add3A_131, %dma_wait3A_133] : memref<125x80xi32, #tpu.memory_space<vmem>> -> memref<1x80xi32, #tpu.memory_space<vmem>>
      %dma_wait3A_135 = tpu.memref_squeeze %dma_wait3A_134 : memref<1x80xi32, #tpu.memory_space<vmem>> -> memref<80xi32, #tpu.memory_space<vmem>>
      %dma_wait3A_136 = arith.constant 0 : i32
      %dma_wait3A_137 = arith.constant 0 : i32
      %dma_wait3A_138 = tpu.memref_slice %arg2[%dma_wait3A_136, %dma_wait3A_137] : memref<10000x16xf32, #tpu.memory_space<hbm>> -> memref<10000x16xf32, #tpu.memory_space<hbm>>
      %dma_wait3A_139 = tpu.memref_slice %arg15[%dma_wait3A_132] : memref<5x!tpu.dma_semaphore, #tpu.memory_space<semaphore_mem>> -> memref<1x!tpu.dma_semaphore, #tpu.memory_space<semaphore_mem>>
      %dma_wait3A_140 = tpu.memref_squeeze %dma_wait3A_139 : memref<1x!tpu.dma_semaphore, #tpu.memory_space<semaphore_mem>> -> memref<!tpu.dma_semaphore, #tpu.memory_space<semaphore_mem>>
      tpu.wait_indirect_dma semaphore(%dma_wait3A_140 : memref<!tpu.dma_semaphore, #tpu.memory_space<semaphore_mem>>) src(%dma_wait3A_138 : memref<10000x16xf32, #tpu.memory_space<hbm>>) dst(%arg9 : memref<80x16xf32, #tpu.memory_space<vmem>>)
      %dma_start3A_141 = arith.constant 0 : i32
      %dma_start3A_142 = arith.constant 0 : i32
      %dma_start3A_143 = tpu.memref_slice %arg8[%add3A_131, %dma_start3A_142] : memref<125x80xi32, #tpu.memory_space<vmem>> -> memref<1x80xi32, #tpu.memory_space<vmem>>
      %dma_start3A_144 = tpu.memref_squeeze %dma_start3A_143 : memref<1x80xi32, #tpu.memory_space<vmem>> -> memref<80xi32, #tpu.memory_space<vmem>>
      %dma_start3A_145 = arith.constant 0 : i32
      %dma_start3A_146 = arith.constant 0 : i32
      %dma_start3A_147 = tpu.memref_slice %arg14[%dma_start3A_145, %dma_start3A_146] : memref<10008x16xf32, #tpu.memory_space<vmem_shared>> -> memref<10008x16xf32, #tpu.memory_space<vmem_shared>>
      %dma_start3A_148 = tpu.memref_slice %arg16[%dma_start3A_141] : memref<5x!tpu.dma_semaphore, #tpu.memory_space<semaphore_mem>> -> memref<1x!tpu.dma_semaphore, #tpu.memory_space<semaphore_mem>>
      %dma_start3A_149 = tpu.memref_squeeze %dma_start3A_148 : memref<1x!tpu.dma_semaphore, #tpu.memory_space<semaphore_mem>> -> memref<!tpu.dma_semaphore, #tpu.memory_space<semaphore_mem>>
      tpu.enqueue_indirect_dma source(%arg9 : memref<80x16xf32, #tpu.memory_space<vmem>>) target(%dma_start3A_147 : memref<10008x16xf32, #tpu.memory_space<vmem_shared>>) offsets(%dma_start3A_144 : memref<80xi32, #tpu.memory_space<vmem>>) semaphore(%dma_start3A_149 : memref<!tpu.dma_semaphore, #tpu.memory_space<semaphore_mem>>) {add = true}
      %mul3A_150 = arith.constant 5 : i32
      %mul3A_151 = arith.muli %scan3A_127, %mul3A_150 : i32
      %add3A_152 = arith.constant 1 : i32
      %add3A_153 = arith.addi %mul3A_151, %add3A_152 : i32
      %dma_wait3A_154 = arith.constant 1 : i32
      %dma_wait3A_155 = arith.constant 0 : i32
      %dma_wait3A_156 = tpu.memref_slice %arg7[%add3A_153, %dma_wait3A_155] : memref<125x80xi32, #tpu.memory_space<vmem>> -> memref<1x80xi32, #tpu.memory_space<vmem>>
      %dma_wait3A_157 = tpu.memref_squeeze %dma_wait3A_156 : memref<1x80xi32, #tpu.memory_space<vmem>> -> memref<80xi32, #tpu.memory_space<vmem>>
      %dma_wait3A_158 = arith.constant 0 : i32
      %dma_wait3A_159 = arith.constant 0 : i32
      %dma_wait3A_160 = tpu.memref_slice %arg2[%dma_wait3A_158, %dma_wait3A_159] : memref<10000x16xf32, #tpu.memory_space<hbm>> -> memref<10000x16xf32, #tpu.memory_space<hbm>>
      %dma_wait3A_161 = tpu.memref_slice %arg15[%dma_wait3A_154] : memref<5x!tpu.dma_semaphore, #tpu.memory_space<semaphore_mem>> -> memref<1x!tpu.dma_semaphore, #tpu.memory_space<semaphore_mem>>
      %dma_wait3A_162 = tpu.memref_squeeze %dma_wait3A_161 : memref<1x!tpu.dma_semaphore, #tpu.memory_space<semaphore_mem>> -> memref<!tpu.dma_semaphore, #tpu.memory_space<semaphore_mem>>
      tpu.wait_indirect_dma semaphore(%dma_wait3A_162 : memref<!tpu.dma_semaphore, #tpu.memory_space<semaphore_mem>>) src(%dma_wait3A_160 : memref<10000x16xf32, #tpu.memory_space<hbm>>) dst(%arg10 : memref<80x16xf32, #tpu.memory_space<vmem>>)
      %dma_start3A_163 = arith.constant 1 : i32
      %dma_start3A_164 = arith.constant 0 : i32
      %dma_start3A_165 = tpu.memref_slice %arg8[%add3A_153, %dma_start3A_164] : memref<125x80xi32, #tpu.memory_space<vmem>> -> memref<1x80xi32, #tpu.memory_space<vmem>>
      %dma_start3A_166 = tpu.memref_squeeze %dma_start3A_165 : memref<1x80xi32, #tpu.memory_space<vmem>> -> memref<80xi32, #tpu.memory_space<vmem>>
      %dma_start3A_167 = arith.constant 0 : i32
      %dma_start3A_168 = arith.constant 0 : i32
      %dma_start3A_169 = tpu.memref_slice %arg14[%dma_start3A_167, %dma_start3A_168] : memref<10008x16xf32, #tpu.memory_space<vmem_shared>> -> memref<10008x16xf32, #tpu.memory_space<vmem_shared>>
      %dma_start3A_170 = tpu.memref_slice %arg16[%dma_start3A_163] : memref<5x!tpu.dma_semaphore, #tpu.memory_space<semaphore_mem>> -> memref<1x!tpu.dma_semaphore, #tpu.memory_space<semaphore_mem>>
      %dma_start3A_171 = tpu.memref_squeeze %dma_start3A_170 : memref<1x!tpu.dma_semaphore, #tpu.memory_space<semaphore_mem>> -> memref<!tpu.dma_semaphore, #tpu.memory_space<semaphore_mem>>
      tpu.enqueue_indirect_dma source(%arg10 : memref<80x16xf32, #tpu.memory_space<vmem>>) target(%dma_start3A_169 : memref<10008x16xf32, #tpu.memory_space<vmem_shared>>) offsets(%dma_start3A_166 : memref<80xi32, #tpu.memory_space<vmem>>) semaphore(%dma_start3A_171 : memref<!tpu.dma_semaphore, #tpu.memory_space<semaphore_mem>>) {add = true}
      %mul3A_172 = arith.constant 5 : i32
      %mul3A_173 = arith.muli %scan3A_127, %mul3A_172 : i32
      %add3A_174 = arith.constant 2 : i32
      %add3A_175 = arith.addi %mul3A_173, %add3A_174 : i32
      %dma_wait3A_176 = arith.constant 2 : i32
      %dma_wait3A_177 = arith.constant 0 : i32
      %dma_wait3A_178 = tpu.memref_slice %arg7[%add3A_175, %dma_wait3A_177] : memref<125x80xi32, #tpu.memory_space<vmem>> -> memref<1x80xi32, #tpu.memory_space<vmem>>
      %dma_wait3A_179 = tpu.memref_squeeze %dma_wait3A_178 : memref<1x80xi32, #tpu.memory_space<vmem>> -> memref<80xi32, #tpu.memory_space<vmem>>
      %dma_wait3A_180 = arith.constant 0 : i32
      %dma_wait3A_181 = arith.constant 0 : i32
      %dma_wait3A_182 = tpu.memref_slice %arg2[%dma_wait3A_180, %dma_wait3A_181] : memref<10000x16xf32, #tpu.memory_space<hbm>> -> memref<10000x16xf32, #tpu.memory_space<hbm>>
      %dma_wait3A_183 = tpu.memref_slice %arg15[%dma_wait3A_176] : memref<5x!tpu.dma_semaphore, #tpu.memory_space<semaphore_mem>> -> memref<1x!tpu.dma_semaphore, #tpu.memory_space<semaphore_mem>>
      %dma_wait3A_184 = tpu.memref_squeeze %dma_wait3A_183 : memref<1x!tpu.dma_semaphore, #tpu.memory_space<semaphore_mem>> -> memref<!tpu.dma_semaphore, #tpu.memory_space<semaphore_mem>>
      tpu.wait_indirect_dma semaphore(%dma_wait3A_184 : memref<!tpu.dma_semaphore, #tpu.memory_space<semaphore_mem>>) src(%dma_wait3A_182 : memref<10000x16xf32, #tpu.memory_space<hbm>>) dst(%arg11 : memref<80x16xf32, #tpu.memory_space<vmem>>)
      %dma_start3A_185 = arith.constant 2 : i32
      %dma_start3A_186 = arith.constant 0 : i32
      %dma_start3A_187 = tpu.memref_slice %arg8[%add3A_175, %dma_start3A_186] : memref<125x80xi32, #tpu.memory_space<vmem>> -> memref<1x80xi32, #tpu.memory_space<vmem>>
      %dma_start3A_188 = tpu.memref_squeeze %dma_start3A_187 : memref<1x80xi32, #tpu.memory_space<vmem>> -> memref<80xi32, #tpu.memory_space<vmem>>
      %dma_start3A_189 = arith.constant 0 : i32
      %dma_start3A_190 = arith.constant 0 : i32
      %dma_start3A_191 = tpu.memref_slice %arg14[%dma_start3A_189, %dma_start3A_190] : memref<10008x16xf32, #tpu.memory_space<vmem_shared>> -> memref<10008x16xf32, #tpu.memory_space<vmem_shared>>
      %dma_start3A_192 = tpu.memref_slice %arg16[%dma_start3A_185] : memref<5x!tpu.dma_semaphore, #tpu.memory_space<semaphore_mem>> -> memref<1x!tpu.dma_semaphore, #tpu.memory_space<semaphore_mem>>
      %dma_start3A_193 = tpu.memref_squeeze %dma_start3A_192 : memref<1x!tpu.dma_semaphore, #tpu.memory_space<semaphore_mem>> -> memref<!tpu.dma_semaphore, #tpu.memory_space<semaphore_mem>>
      tpu.enqueue_indirect_dma source(%arg11 : memref<80x16xf32, #tpu.memory_space<vmem>>) target(%dma_start3A_191 : memref<10008x16xf32, #tpu.memory_space<vmem_shared>>) offsets(%dma_start3A_188 : memref<80xi32, #tpu.memory_space<vmem>>) semaphore(%dma_start3A_193 : memref<!tpu.dma_semaphore, #tpu.memory_space<semaphore_mem>>) {add = true}
      %mul3A_194 = arith.constant 5 : i32
      %mul3A_195 = arith.muli %scan3A_127, %mul3A_194 : i32
      %add3A_196 = arith.constant 3 : i32
      %add3A_197 = arith.addi %mul3A_195, %add3A_196 : i32
      %dma_wait3A_198 = arith.constant 3 : i32
      %dma_wait3A_199 = arith.constant 0 : i32
      %dma_wait3A_200 = tpu.memref_slice %arg7[%add3A_197, %dma_wait3A_199] : memref<125x80xi32, #tpu.memory_space<vmem>> -> memref<1x80xi32, #tpu.memory_space<vmem>>
      %dma_wait3A_201 = tpu.memref_squeeze %dma_wait3A_200 : memref<1x80xi32, #tpu.memory_space<vmem>> -> memref<80xi32, #tpu.memory_space<vmem>>
      %dma_wait3A_202 = arith.constant 0 : i32
      %dma_wait3A_203 = arith.constant 0 : i32
      %dma_wait3A_204 = tpu.memref_slice %arg2[%dma_wait3A_202, %dma_wait3A_203] : memref<10000x16xf32, #tpu.memory_space<hbm>> -> memref<10000x16xf32, #tpu.memory_space<hbm>>
      %dma_wait3A_205 = tpu.memref_slice %arg15[%dma_wait3A_198] : memref<5x!tpu.dma_semaphore, #tpu.memory_space<semaphore_mem>> -> memref<1x!tpu.dma_semaphore, #tpu.memory_space<semaphore_mem>>
      %dma_wait3A_206 = tpu.memref_squeeze %dma_wait3A_205 : memref<1x!tpu.dma_semaphore, #tpu.memory_space<semaphore_mem>> -> memref<!tpu.dma_semaphore, #tpu.memory_space<semaphore_mem>>
      tpu.wait_indirect_dma semaphore(%dma_wait3A_206 : memref<!tpu.dma_semaphore, #tpu.memory_space<semaphore_mem>>) src(%dma_wait3A_204 : memref<10000x16xf32, #tpu.memory_space<hbm>>) dst(%arg12 : memref<80x16xf32, #tpu.memory_space<vmem>>)
      %dma_start3A_207 = arith.constant 3 : i32
      %dma_start3A_208 = arith.constant 0 : i32
      %dma_start3A_209 = tpu.memref_slice %arg8[%add3A_197, %dma_start3A_208] : memref<125x80xi32, #tpu.memory_space<vmem>> -> memref<1x80xi32, #tpu.memory_space<vmem>>
      %dma_start3A_210 = tpu.memref_squeeze %dma_start3A_209 : memref<1x80xi32, #tpu.memory_space<vmem>> -> memref<80xi32, #tpu.memory_space<vmem>>
      %dma_start3A_211 = arith.constant 0 : i32
      %dma_start3A_212 = arith.constant 0 : i32
      %dma_start3A_213 = tpu.memref_slice %arg14[%dma_start3A_211, %dma_start3A_212] : memref<10008x16xf32, #tpu.memory_space<vmem_shared>> -> memref<10008x16xf32, #tpu.memory_space<vmem_shared>>
      %dma_start3A_214 = tpu.memref_slice %arg16[%dma_start3A_207] : memref<5x!tpu.dma_semaphore, #tpu.memory_space<semaphore_mem>> -> memref<1x!tpu.dma_semaphore, #tpu.memory_space<semaphore_mem>>
      %dma_start3A_215 = tpu.memref_squeeze %dma_start3A_214 : memref<1x!tpu.dma_semaphore, #tpu.memory_space<semaphore_mem>> -> memref<!tpu.dma_semaphore, #tpu.memory_space<semaphore_mem>>
      tpu.enqueue_indirect_dma source(%arg12 : memref<80x16xf32, #tpu.memory_space<vmem>>) target(%dma_start3A_213 : memref<10008x16xf32, #tpu.memory_space<vmem_shared>>) offsets(%dma_start3A_210 : memref<80xi32, #tpu.memory_space<vmem>>) semaphore(%dma_start3A_215 : memref<!tpu.dma_semaphore, #tpu.memory_space<semaphore_mem>>) {add = true}
      %mul3A_216 = arith.constant 5 : i32
      %mul3A_217 = arith.muli %scan3A_127, %mul3A_216 : i32
      %add3A_218 = arith.constant 4 : i32
      %add3A_219 = arith.addi %mul3A_217, %add3A_218 : i32
      %dma_wait3A_220 = arith.constant 4 : i32
      %dma_wait3A_221 = arith.constant 0 : i32
      %dma_wait3A_222 = tpu.memref_slice %arg7[%add3A_219, %dma_wait3A_221] : memref<125x80xi32, #tpu.memory_space<vmem>> -> memref<1x80xi32, #tpu.memory_space<vmem>>
      %dma_wait3A_223 = tpu.memref_squeeze %dma_wait3A_222 : memref<1x80xi32, #tpu.memory_space<vmem>> -> memref<80xi32, #tpu.memory_space<vmem>>
      %dma_wait3A_224 = arith.constant 0 : i32
      %dma_wait3A_225 = arith.constant 0 : i32
      %dma_wait3A_226 = tpu.memref_slice %arg2[%dma_wait3A_224, %dma_wait3A_225] : memref<10000x16xf32, #tpu.memory_space<hbm>> -> memref<10000x16xf32, #tpu.memory_space<hbm>>
      %dma_wait3A_227 = tpu.memref_slice %arg15[%dma_wait3A_220] : memref<5x!tpu.dma_semaphore, #tpu.memory_space<semaphore_mem>> -> memref<1x!tpu.dma_semaphore, #tpu.memory_space<semaphore_mem>>
      %dma_wait3A_228 = tpu.memref_squeeze %dma_wait3A_227 : memref<1x!tpu.dma_semaphore, #tpu.memory_space<semaphore_mem>> -> memref<!tpu.dma_semaphore, #tpu.memory_space<semaphore_mem>>
      tpu.wait_indirect_dma semaphore(%dma_wait3A_228 : memref<!tpu.dma_semaphore, #tpu.memory_space<semaphore_mem>>) src(%dma_wait3A_226 : memref<10000x16xf32, #tpu.memory_space<hbm>>) dst(%arg13 : memref<80x16xf32, #tpu.memory_space<vmem>>)
      %dma_start3A_229 = arith.constant 4 : i32
      %dma_start3A_230 = arith.constant 0 : i32
      %dma_start3A_231 = tpu.memref_slice %arg8[%add3A_219, %dma_start3A_230] : memref<125x80xi32, #tpu.memory_space<vmem>> -> memref<1x80xi32, #tpu.memory_space<vmem>>
      %dma_start3A_232 = tpu.memref_squeeze %dma_start3A_231 : memref<1x80xi32, #tpu.memory_space<vmem>> -> memref<80xi32, #tpu.memory_space<vmem>>
      %dma_start3A_233 = arith.constant 0 : i32
      %dma_start3A_234 = arith.constant 0 : i32
      %dma_start3A_235 = tpu.memref_slice %arg14[%dma_start3A_233, %dma_start3A_234] : memref<10008x16xf32, #tpu.memory_space<vmem_shared>> -> memref<10008x16xf32, #tpu.memory_space<vmem_shared>>
      %dma_start3A_236 = tpu.memref_slice %arg16[%dma_start3A_229] : memref<5x!tpu.dma_semaphore, #tpu.memory_space<semaphore_mem>> -> memref<1x!tpu.dma_semaphore, #tpu.memory_space<semaphore_mem>>
      %dma_start3A_237 = tpu.memref_squeeze %dma_start3A_236 : memref<1x!tpu.dma_semaphore, #tpu.memory_space<semaphore_mem>> -> memref<!tpu.dma_semaphore, #tpu.memory_space<semaphore_mem>>
      tpu.enqueue_indirect_dma source(%arg13 : memref<80x16xf32, #tpu.memory_space<vmem>>) target(%dma_start3A_235 : memref<10008x16xf32, #tpu.memory_space<vmem_shared>>) offsets(%dma_start3A_232 : memref<80xi32, #tpu.memory_space<vmem>>) semaphore(%dma_start3A_237 : memref<!tpu.dma_semaphore, #tpu.memory_space<semaphore_mem>>) {add = true}
      %dma_wait3A_238 = arith.constant 0 : i32
      %dma_wait3A_239 = arith.constant 0 : i32
      %dma_wait3A_240 = tpu.memref_slice %arg8[%add3A_131, %dma_wait3A_239] : memref<125x80xi32, #tpu.memory_space<vmem>> -> memref<1x80xi32, #tpu.memory_space<vmem>>
      %dma_wait3A_241 = tpu.memref_squeeze %dma_wait3A_240 : memref<1x80xi32, #tpu.memory_space<vmem>> -> memref<80xi32, #tpu.memory_space<vmem>>
      %dma_wait3A_242 = arith.constant 0 : i32
      %dma_wait3A_243 = arith.constant 0 : i32
      %dma_wait3A_244 = tpu.memref_slice %arg14[%dma_wait3A_242, %dma_wait3A_243] : memref<10008x16xf32, #tpu.memory_space<vmem_shared>> -> memref<10008x16xf32, #tpu.memory_space<vmem_shared>>
      %dma_wait3A_245 = tpu.memref_slice %arg16[%dma_wait3A_238] : memref<5x!tpu.dma_semaphore, #tpu.memory_space<semaphore_mem>> -> memref<1x!tpu.dma_semaphore, #tpu.memory_space<semaphore_mem>>
      %dma_wait3A_246 = tpu.memref_squeeze %dma_wait3A_245 : memref<1x!tpu.dma_semaphore, #tpu.memory_space<semaphore_mem>> -> memref<!tpu.dma_semaphore, #tpu.memory_space<semaphore_mem>>
      tpu.wait_indirect_dma semaphore(%dma_wait3A_246 : memref<!tpu.dma_semaphore, #tpu.memory_space<semaphore_mem>>) src(%arg9 : memref<80x16xf32, #tpu.memory_space<vmem>>) dst(%dma_wait3A_244 : memref<10008x16xf32, #tpu.memory_space<vmem_shared>>)
      %add3A_247 = arith.constant 1 : i32
      %add3A_248 = arith.addi %scan3A_127, %add3A_247 : i32
      %lt3A_249 = arith.constant 25 : i32
      %lt3A_250 = arith.cmpi slt, %add3A_248, %lt3A_249 : i32
      %convert_element_type3A_251 = arith.extui %lt3A_250 : i1 to i32
      %cond3A_252 = arith.constant 0 : i32
      %cond3A_253 = arith.cmpi ne, %convert_element_type3A_251, %cond3A_252 : i32
      scf.if %cond3A_253 {
        %add3A_318 = arith.constant 1 : i32
        %add3A_319 = arith.addi %scan3A_127, %add3A_318 : i32
        %mul3A_320 = arith.constant 5 : i32
        %mul3A_321 = arith.muli %add3A_319, %mul3A_320 : i32
        %add3A_322 = arith.constant 0 : i32
        %add3A_323 = arith.addi %mul3A_321, %add3A_322 : i32
        %dma_start3A_324 = arith.constant 0 : i32
        %dma_start3A_325 = arith.constant 0 : i32
        %dma_start3A_326 = tpu.memref_slice %arg7[%add3A_323, %dma_start3A_325] : memref<125x80xi32, #tpu.memory_space<vmem>> -> memref<1x80xi32, #tpu.memory_space<vmem>>
        %dma_start3A_327 = tpu.memref_squeeze %dma_start3A_326 : memref<1x80xi32, #tpu.memory_space<vmem>> -> memref<80xi32, #tpu.memory_space<vmem>>
        %dma_start3A_328 = arith.constant 0 : i32
        %dma_start3A_329 = arith.constant 0 : i32
        %dma_start3A_330 = tpu.memref_slice %arg2[%dma_start3A_328, %dma_start3A_329] : memref<10000x16xf32, #tpu.memory_space<hbm>> -> memref<10000x16xf32, #tpu.memory_space<hbm>>
        %dma_start3A_331 = tpu.memref_slice %arg15[%dma_start3A_324] : memref<5x!tpu.dma_semaphore, #tpu.memory_space<semaphore_mem>> -> memref<1x!tpu.dma_semaphore, #tpu.memory_space<semaphore_mem>>
        %dma_start3A_332 = tpu.memref_squeeze %dma_start3A_331 : memref<1x!tpu.dma_semaphore, #tpu.memory_space<semaphore_mem>> -> memref<!tpu.dma_semaphore, #tpu.memory_space<semaphore_mem>>
        tpu.enqueue_indirect_dma source(%dma_start3A_330 : memref<10000x16xf32, #tpu.memory_space<hbm>>) target(%arg9 : memref<80x16xf32, #tpu.memory_space<vmem>>) offsets(%dma_start3A_327 : memref<80xi32, #tpu.memory_space<vmem>>) semaphore(%dma_start3A_332 : memref<!tpu.dma_semaphore, #tpu.memory_space<semaphore_mem>>)
      } else {
      }
      %dma_wait3A_254 = arith.constant 1 : i32
      %dma_wait3A_255 = arith.constant 0 : i32
      %dma_wait3A_256 = tpu.memref_slice %arg8[%add3A_153, %dma_wait3A_255] : memref<125x80xi32, #tpu.memory_space<vmem>> -> memref<1x80xi32, #tpu.memory_space<vmem>>
      %dma_wait3A_257 = tpu.memref_squeeze %dma_wait3A_256 : memref<1x80xi32, #tpu.memory_space<vmem>> -> memref<80xi32, #tpu.memory_space<vmem>>
      %dma_wait3A_258 = arith.constant 0 : i32
      %dma_wait3A_259 = arith.constant 0 : i32
      %dma_wait3A_260 = tpu.memref_slice %arg14[%dma_wait3A_258, %dma_wait3A_259] : memref<10008x16xf32, #tpu.memory_space<vmem_shared>> -> memref<10008x16xf32, #tpu.memory_space<vmem_shared>>
      %dma_wait3A_261 = tpu.memref_slice %arg16[%dma_wait3A_254] : memref<5x!tpu.dma_semaphore, #tpu.memory_space<semaphore_mem>> -> memref<1x!tpu.dma_semaphore, #tpu.memory_space<semaphore_mem>>
      %dma_wait3A_262 = tpu.memref_squeeze %dma_wait3A_261 : memref<1x!tpu.dma_semaphore, #tpu.memory_space<semaphore_mem>> -> memref<!tpu.dma_semaphore, #tpu.memory_space<semaphore_mem>>
      tpu.wait_indirect_dma semaphore(%dma_wait3A_262 : memref<!tpu.dma_semaphore, #tpu.memory_space<semaphore_mem>>) src(%arg10 : memref<80x16xf32, #tpu.memory_space<vmem>>) dst(%dma_wait3A_260 : memref<10008x16xf32, #tpu.memory_space<vmem_shared>>)
      %add3A_263 = arith.constant 1 : i32
      %add3A_264 = arith.addi %scan3A_127, %add3A_263 : i32
      %lt3A_265 = arith.constant 25 : i32
      %lt3A_266 = arith.cmpi slt, %add3A_264, %lt3A_265 : i32
      %convert_element_type3A_267 = arith.extui %lt3A_266 : i1 to i32
      %cond3A_268 = arith.constant 0 : i32
      %cond3A_269 = arith.cmpi ne, %convert_element_type3A_267, %cond3A_268 : i32
      scf.if %cond3A_269 {
        %add3A_318 = arith.constant 1 : i32
        %add3A_319 = arith.addi %scan3A_127, %add3A_318 : i32
        %mul3A_320 = arith.constant 5 : i32
        %mul3A_321 = arith.muli %add3A_319, %mul3A_320 : i32
        %add3A_322 = arith.constant 1 : i32
        %add3A_323 = arith.addi %mul3A_321, %add3A_322 : i32
        %dma_start3A_324 = arith.constant 1 : i32
        %dma_start3A_325 = arith.constant 0 : i32
        %dma_start3A_326 = tpu.memref_slice %arg7[%add3A_323, %dma_start3A_325] : memref<125x80xi32, #tpu.memory_space<vmem>> -> memref<1x80xi32, #tpu.memory_space<vmem>>
        %dma_start3A_327 = tpu.memref_squeeze %dma_start3A_326 : memref<1x80xi32, #tpu.memory_space<vmem>> -> memref<80xi32, #tpu.memory_space<vmem>>
        %dma_start3A_328 = arith.constant 0 : i32
        %dma_start3A_329 = arith.constant 0 : i32
        %dma_start3A_330 = tpu.memref_slice %arg2[%dma_start3A_328, %dma_start3A_329] : memref<10000x16xf32, #tpu.memory_space<hbm>> -> memref<10000x16xf32, #tpu.memory_space<hbm>>
        %dma_start3A_331 = tpu.memref_slice %arg15[%dma_start3A_324] : memref<5x!tpu.dma_semaphore, #tpu.memory_space<semaphore_mem>> -> memref<1x!tpu.dma_semaphore, #tpu.memory_space<semaphore_mem>>
        %dma_start3A_332 = tpu.memref_squeeze %dma_start3A_331 : memref<1x!tpu.dma_semaphore, #tpu.memory_space<semaphore_mem>> -> memref<!tpu.dma_semaphore, #tpu.memory_space<semaphore_mem>>
        tpu.enqueue_indirect_dma source(%dma_start3A_330 : memref<10000x16xf32, #tpu.memory_space<hbm>>) target(%arg10 : memref<80x16xf32, #tpu.memory_space<vmem>>) offsets(%dma_start3A_327 : memref<80xi32, #tpu.memory_space<vmem>>) semaphore(%dma_start3A_332 : memref<!tpu.dma_semaphore, #tpu.memory_space<semaphore_mem>>)
      } else {
      }
      %dma_wait3A_270 = arith.constant 2 : i32
      %dma_wait3A_271 = arith.constant 0 : i32
      %dma_wait3A_272 = tpu.memref_slice %arg8[%add3A_175, %dma_wait3A_271] : memref<125x80xi32, #tpu.memory_space<vmem>> -> memref<1x80xi32, #tpu.memory_space<vmem>>
      %dma_wait3A_273 = tpu.memref_squeeze %dma_wait3A_272 : memref<1x80xi32, #tpu.memory_space<vmem>> -> memref<80xi32, #tpu.memory_space<vmem>>
      %dma_wait3A_274 = arith.constant 0 : i32
      %dma_wait3A_275 = arith.constant 0 : i32
      %dma_wait3A_276 = tpu.memref_slice %arg14[%dma_wait3A_274, %dma_wait3A_275] : memref<10008x16xf32, #tpu.memory_space<vmem_shared>> -> memref<10008x16xf32, #tpu.memory_space<vmem_shared>>
      %dma_wait3A_277 = tpu.memref_slice %arg16[%dma_wait3A_270] : memref<5x!tpu.dma_semaphore, #tpu.memory_space<semaphore_mem>> -> memref<1x!tpu.dma_semaphore, #tpu.memory_space<semaphore_mem>>
      %dma_wait3A_278 = tpu.memref_squeeze %dma_wait3A_277 : memref<1x!tpu.dma_semaphore, #tpu.memory_space<semaphore_mem>> -> memref<!tpu.dma_semaphore, #tpu.memory_space<semaphore_mem>>
      tpu.wait_indirect_dma semaphore(%dma_wait3A_278 : memref<!tpu.dma_semaphore, #tpu.memory_space<semaphore_mem>>) src(%arg11 : memref<80x16xf32, #tpu.memory_space<vmem>>) dst(%dma_wait3A_276 : memref<10008x16xf32, #tpu.memory_space<vmem_shared>>)
      %add3A_279 = arith.constant 1 : i32
      %add3A_280 = arith.addi %scan3A_127, %add3A_279 : i32
      %lt3A_281 = arith.constant 25 : i32
      %lt3A_282 = arith.cmpi slt, %add3A_280, %lt3A_281 : i32
      %convert_element_type3A_283 = arith.extui %lt3A_282 : i1 to i32
      %cond3A_284 = arith.constant 0 : i32
      %cond3A_285 = arith.cmpi ne, %convert_element_type3A_283, %cond3A_284 : i32
      scf.if %cond3A_285 {
        %add3A_318 = arith.constant 1 : i32
        %add3A_319 = arith.addi %scan3A_127, %add3A_318 : i32
        %mul3A_320 = arith.constant 5 : i32
        %mul3A_321 = arith.muli %add3A_319, %mul3A_320 : i32
        %add3A_322 = arith.constant 2 : i32
        %add3A_323 = arith.addi %mul3A_321, %add3A_322 : i32
        %dma_start3A_324 = arith.constant 2 : i32
        %dma_start3A_325 = arith.constant 0 : i32
        %dma_start3A_326 = tpu.memref_slice %arg7[%add3A_323, %dma_start3A_325] : memref<125x80xi32, #tpu.memory_space<vmem>> -> memref<1x80xi32, #tpu.memory_space<vmem>>
        %dma_start3A_327 = tpu.memref_squeeze %dma_start3A_326 : memref<1x80xi32, #tpu.memory_space<vmem>> -> memref<80xi32, #tpu.memory_space<vmem>>
        %dma_start3A_328 = arith.constant 0 : i32
        %dma_start3A_329 = arith.constant 0 : i32
        %dma_start3A_330 = tpu.memref_slice %arg2[%dma_start3A_328, %dma_start3A_329] : memref<10000x16xf32, #tpu.memory_space<hbm>> -> memref<10000x16xf32, #tpu.memory_space<hbm>>
        %dma_start3A_331 = tpu.memref_slice %arg15[%dma_start3A_324] : memref<5x!tpu.dma_semaphore, #tpu.memory_space<semaphore_mem>> -> memref<1x!tpu.dma_semaphore, #tpu.memory_space<semaphore_mem>>
        %dma_start3A_332 = tpu.memref_squeeze %dma_start3A_331 : memref<1x!tpu.dma_semaphore, #tpu.memory_space<semaphore_mem>> -> memref<!tpu.dma_semaphore, #tpu.memory_space<semaphore_mem>>
        tpu.enqueue_indirect_dma source(%dma_start3A_330 : memref<10000x16xf32, #tpu.memory_space<hbm>>) target(%arg11 : memref<80x16xf32, #tpu.memory_space<vmem>>) offsets(%dma_start3A_327 : memref<80xi32, #tpu.memory_space<vmem>>) semaphore(%dma_start3A_332 : memref<!tpu.dma_semaphore, #tpu.memory_space<semaphore_mem>>)
      } else {
      }
      %dma_wait3A_286 = arith.constant 3 : i32
      %dma_wait3A_287 = arith.constant 0 : i32
      %dma_wait3A_288 = tpu.memref_slice %arg8[%add3A_197, %dma_wait3A_287] : memref<125x80xi32, #tpu.memory_space<vmem>> -> memref<1x80xi32, #tpu.memory_space<vmem>>
      %dma_wait3A_289 = tpu.memref_squeeze %dma_wait3A_288 : memref<1x80xi32, #tpu.memory_space<vmem>> -> memref<80xi32, #tpu.memory_space<vmem>>
      %dma_wait3A_290 = arith.constant 0 : i32
      %dma_wait3A_291 = arith.constant 0 : i32
      %dma_wait3A_292 = tpu.memref_slice %arg14[%dma_wait3A_290, %dma_wait3A_291] : memref<10008x16xf32, #tpu.memory_space<vmem_shared>> -> memref<10008x16xf32, #tpu.memory_space<vmem_shared>>
      %dma_wait3A_293 = tpu.memref_slice %arg16[%dma_wait3A_286] : memref<5x!tpu.dma_semaphore, #tpu.memory_space<semaphore_mem>> -> memref<1x!tpu.dma_semaphore, #tpu.memory_space<semaphore_mem>>
      %dma_wait3A_294 = tpu.memref_squeeze %dma_wait3A_293 : memref<1x!tpu.dma_semaphore, #tpu.memory_space<semaphore_mem>> -> memref<!tpu.dma_semaphore, #tpu.memory_space<semaphore_mem>>
      tpu.wait_indirect_dma semaphore(%dma_wait3A_294 : memref<!tpu.dma_semaphore, #tpu.memory_space<semaphore_mem>>) src(%arg12 : memref<80x16xf32, #tpu.memory_space<vmem>>) dst(%dma_wait3A_292 : memref<10008x16xf32, #tpu.memory_space<vmem_shared>>)
      %add3A_295 = arith.constant 1 : i32
      %add3A_296 = arith.addi %scan3A_127, %add3A_295 : i32
      %lt3A_297 = arith.constant 25 : i32
      %lt3A_298 = arith.cmpi slt, %add3A_296, %lt3A_297 : i32
      %convert_element_type3A_299 = arith.extui %lt3A_298 : i1 to i32
      %cond3A_300 = arith.constant 0 : i32
      %cond3A_301 = arith.cmpi ne, %convert_element_type3A_299, %cond3A_300 : i32
      scf.if %cond3A_301 {
        %add3A_318 = arith.constant 1 : i32
        %add3A_319 = arith.addi %scan3A_127, %add3A_318 : i32
        %mul3A_320 = arith.constant 5 : i32
        %mul3A_321 = arith.muli %add3A_319, %mul3A_320 : i32
        %add3A_322 = arith.constant 3 : i32
        %add3A_323 = arith.addi %mul3A_321, %add3A_322 : i32
        %dma_start3A_324 = arith.constant 3 : i32
        %dma_start3A_325 = arith.constant 0 : i32
        %dma_start3A_326 = tpu.memref_slice %arg7[%add3A_323, %dma_start3A_325] : memref<125x80xi32, #tpu.memory_space<vmem>> -> memref<1x80xi32, #tpu.memory_space<vmem>>
        %dma_start3A_327 = tpu.memref_squeeze %dma_start3A_326 : memref<1x80xi32, #tpu.memory_space<vmem>> -> memref<80xi32, #tpu.memory_space<vmem>>
        %dma_start3A_328 = arith.constant 0 : i32
        %dma_start3A_329 = arith.constant 0 : i32
        %dma_start3A_330 = tpu.memref_slice %arg2[%dma_start3A_328, %dma_start3A_329] : memref<10000x16xf32, #tpu.memory_space<hbm>> -> memref<10000x16xf32, #tpu.memory_space<hbm>>
        %dma_start3A_331 = tpu.memref_slice %arg15[%dma_start3A_324] : memref<5x!tpu.dma_semaphore, #tpu.memory_space<semaphore_mem>> -> memref<1x!tpu.dma_semaphore, #tpu.memory_space<semaphore_mem>>
        %dma_start3A_332 = tpu.memref_squeeze %dma_start3A_331 : memref<1x!tpu.dma_semaphore, #tpu.memory_space<semaphore_mem>> -> memref<!tpu.dma_semaphore, #tpu.memory_space<semaphore_mem>>
        tpu.enqueue_indirect_dma source(%dma_start3A_330 : memref<10000x16xf32, #tpu.memory_space<hbm>>) target(%arg12 : memref<80x16xf32, #tpu.memory_space<vmem>>) offsets(%dma_start3A_327 : memref<80xi32, #tpu.memory_space<vmem>>) semaphore(%dma_start3A_332 : memref<!tpu.dma_semaphore, #tpu.memory_space<semaphore_mem>>)
      } else {
      }
      %dma_wait3A_302 = arith.constant 4 : i32
      %dma_wait3A_303 = arith.constant 0 : i32
      %dma_wait3A_304 = tpu.memref_slice %arg8[%add3A_219, %dma_wait3A_303] : memref<125x80xi32, #tpu.memory_space<vmem>> -> memref<1x80xi32, #tpu.memory_space<vmem>>
      %dma_wait3A_305 = tpu.memref_squeeze %dma_wait3A_304 : memref<1x80xi32, #tpu.memory_space<vmem>> -> memref<80xi32, #tpu.memory_space<vmem>>
      %dma_wait3A_306 = arith.constant 0 : i32
      %dma_wait3A_307 = arith.constant 0 : i32
      %dma_wait3A_308 = tpu.memref_slice %arg14[%dma_wait3A_306, %dma_wait3A_307] : memref<10008x16xf32, #tpu.memory_space<vmem_shared>> -> memref<10008x16xf32, #tpu.memory_space<vmem_shared>>
      %dma_wait3A_309 = tpu.memref_slice %arg16[%dma_wait3A_302] : memref<5x!tpu.dma_semaphore, #tpu.memory_space<semaphore_mem>> -> memref<1x!tpu.dma_semaphore, #tpu.memory_space<semaphore_mem>>
      %dma_wait3A_310 = tpu.memref_squeeze %dma_wait3A_309 : memref<1x!tpu.dma_semaphore, #tpu.memory_space<semaphore_mem>> -> memref<!tpu.dma_semaphore, #tpu.memory_space<semaphore_mem>>
      tpu.wait_indirect_dma semaphore(%dma_wait3A_310 : memref<!tpu.dma_semaphore, #tpu.memory_space<semaphore_mem>>) src(%arg13 : memref<80x16xf32, #tpu.memory_space<vmem>>) dst(%dma_wait3A_308 : memref<10008x16xf32, #tpu.memory_space<vmem_shared>>)
      %add3A_311 = arith.constant 1 : i32
      %add3A_312 = arith.addi %scan3A_127, %add3A_311 : i32
      %lt3A_313 = arith.constant 25 : i32
      %lt3A_314 = arith.cmpi slt, %add3A_312, %lt3A_313 : i32
      %convert_element_type3A_315 = arith.extui %lt3A_314 : i1 to i32
      %cond3A_316 = arith.constant 0 : i32
      %cond3A_317 = arith.cmpi ne, %convert_element_type3A_315, %cond3A_316 : i32
      scf.if %cond3A_317 {
        %add3A_318 = arith.constant 1 : i32
        %add3A_319 = arith.addi %scan3A_127, %add3A_318 : i32
        %mul3A_320 = arith.constant 5 : i32
        %mul3A_321 = arith.muli %add3A_319, %mul3A_320 : i32
        %add3A_322 = arith.constant 4 : i32
        %add3A_323 = arith.addi %mul3A_321, %add3A_322 : i32
        %dma_start3A_324 = arith.constant 4 : i32
        %dma_start3A_325 = arith.constant 0 : i32
        %dma_start3A_326 = tpu.memref_slice %arg7[%add3A_323, %dma_start3A_325] : memref<125x80xi32, #tpu.memory_space<vmem>> -> memref<1x80xi32, #tpu.memory_space<vmem>>
        %dma_start3A_327 = tpu.memref_squeeze %dma_start3A_326 : memref<1x80xi32, #tpu.memory_space<vmem>> -> memref<80xi32, #tpu.memory_space<vmem>>
        %dma_start3A_328 = arith.constant 0 : i32
        %dma_start3A_329 = arith.constant 0 : i32
        %dma_start3A_330 = tpu.memref_slice %arg2[%dma_start3A_328, %dma_start3A_329] : memref<10000x16xf32, #tpu.memory_space<hbm>> -> memref<10000x16xf32, #tpu.memory_space<hbm>>
        %dma_start3A_331 = tpu.memref_slice %arg15[%dma_start3A_324] : memref<5x!tpu.dma_semaphore, #tpu.memory_space<semaphore_mem>> -> memref<1x!tpu.dma_semaphore, #tpu.memory_space<semaphore_mem>>
        %dma_start3A_332 = tpu.memref_squeeze %dma_start3A_331 : memref<1x!tpu.dma_semaphore, #tpu.memory_space<semaphore_mem>> -> memref<!tpu.dma_semaphore, #tpu.memory_space<semaphore_mem>>
        tpu.enqueue_indirect_dma source(%dma_start3A_330 : memref<10000x16xf32, #tpu.memory_space<hbm>>) target(%arg13 : memref<80x16xf32, #tpu.memory_space<vmem>>) offsets(%dma_start3A_327 : memref<80xi32, #tpu.memory_space<vmem>>) semaphore(%dma_start3A_332 : memref<!tpu.dma_semaphore, #tpu.memory_space<semaphore_mem>>)
      } else {
      }
    }
    %scan3A_115 = arith.constant 25 : i32
    %barrier3A_116 = arith.constant 0 : index
    tpu.barrier barrier_id(%barrier3A_116)
    %lt3A_117 = arith.constant 15 : i32
    %lt3A_118 = arith.cmpi slt, %arg1, %lt3A_117 : i32
    %convert_element_type3A_119 = arith.extui %lt3A_118 : i1 to i32
    %cond3A_120 = arith.constant 0 : i32
    %cond3A_121 = arith.cmpi ne, %convert_element_type3A_119, %cond3A_120 : i32
    scf.if %cond3A_121 {
      "tpu.region"() ({
        %run_scoped3A = tpu.sem_alloc : memref<!tpu.dma_semaphore, #tpu.memory_space<semaphore_mem>>
        %dma_start3A_127 = arith.constant 0 : i32
        %dma_start3A_128 = tpu.memref_slice %arg6[%arg0, %mul3A_2, %dma_start3A_127] : memref<2x10000x16xf32, #tpu.memory_space<hbm>> -> memref<1x624x16xf32, #tpu.memory_space<hbm>>
        %dma_start3A_129 = tpu.memref_squeeze %dma_start3A_128 : memref<1x624x16xf32, #tpu.memory_space<hbm>> -> memref<624x16xf32, #tpu.memory_space<hbm>>
        %dma_start3A_130 = arith.constant 0 : i32
        %dma_start3A_131 = tpu.memref_slice %arg14[%mul3A_2, %dma_start3A_130] : memref<10008x16xf32, #tpu.memory_space<vmem_shared>> -> memref<624x16xf32, #tpu.memory_space<vmem_shared>>
        tpu.enqueue_dma source(%dma_start3A_131 : memref<624x16xf32, #tpu.memory_space<vmem_shared>>) target(%dma_start3A_129 : memref<624x16xf32, #tpu.memory_space<hbm>>) target_semaphore(%run_scoped3A : memref<!tpu.dma_semaphore, #tpu.memory_space<semaphore_mem>>)
        %dma_wait3A_132 = arith.constant 0 : i32
        %dma_wait3A_133 = tpu.memref_slice %arg6[%arg0, %mul3A_2, %dma_wait3A_132] : memref<2x10000x16xf32, #tpu.memory_space<hbm>> -> memref<1x624x16xf32, #tpu.memory_space<hbm>>
        %dma_wait3A_134 = tpu.memref_squeeze %dma_wait3A_133 : memref<1x624x16xf32, #tpu.memory_space<hbm>> -> memref<624x16xf32, #tpu.memory_space<hbm>>
        %dma_wait3A_135 = arith.constant 0 : i32
        %dma_wait3A_136 = tpu.memref_slice %arg14[%mul3A_2, %dma_wait3A_135] : memref<10008x16xf32, #tpu.memory_space<vmem_shared>> -> memref<624x16xf32, #tpu.memory_space<vmem_shared>>
        tpu.wait_dma2 semaphore(%run_scoped3A : memref<!tpu.dma_semaphore, #tpu.memory_space<semaphore_mem>>) src(%dma_wait3A_136 : memref<624x16xf32, #tpu.memory_space<vmem_shared>>) dst(%dma_wait3A_134 : memref<624x16xf32, #tpu.memory_space<hbm>>)
        tpu.yield
      }) : () -> ()
    } else {
    }
    %eq3A_122 = arith.constant 15 : i32
    %eq3A_123 = arith.cmpi eq, %arg1, %eq3A_122 : i32
    %convert_element_type3A_124 = arith.extui %eq3A_123 : i1 to i32
    %cond3A_125 = arith.constant 0 : i32
    %cond3A_126 = arith.cmpi ne, %convert_element_type3A_124, %cond3A_125 : i32
    scf.if %cond3A_126 {
      "tpu.region"() ({
        %run_scoped3A = tpu.sem_alloc : memref<!tpu.dma_semaphore, #tpu.memory_space<semaphore_mem>>
        %dma_start3A_127 = arith.constant 0 : i32
        %dma_start3A_128 = tpu.memref_slice %arg6[%arg0, %mul3A_2, %dma_start3A_127] : memref<2x10000x16xf32, #tpu.memory_space<hbm>> -> memref<1x640x16xf32, #tpu.memory_space<hbm>>
        %dma_start3A_129 = tpu.memref_squeeze %dma_start3A_128 : memref<1x640x16xf32, #tpu.memory_space<hbm>> -> memref<640x16xf32, #tpu.memory_space<hbm>>
        %dma_start3A_130 = arith.constant 0 : i32
        %dma_start3A_131 = tpu.memref_slice %arg14[%mul3A_2, %dma_start3A_130] : memref<10008x16xf32, #tpu.memory_space<vmem_shared>> -> memref<640x16xf32, #tpu.memory_space<vmem_shared>>
        tpu.enqueue_dma source(%dma_start3A_131 : memref<640x16xf32, #tpu.memory_space<vmem_shared>>) target(%dma_start3A_129 : memref<640x16xf32, #tpu.memory_space<hbm>>) target_semaphore(%run_scoped3A : memref<!tpu.dma_semaphore, #tpu.memory_space<semaphore_mem>>)
        %dma_wait3A_132 = arith.constant 0 : i32
        %dma_wait3A_133 = tpu.memref_slice %arg6[%arg0, %mul3A_2, %dma_wait3A_132] : memref<2x10000x16xf32, #tpu.memory_space<hbm>> -> memref<1x640x16xf32, #tpu.memory_space<hbm>>
        %dma_wait3A_134 = tpu.memref_squeeze %dma_wait3A_133 : memref<1x640x16xf32, #tpu.memory_space<hbm>> -> memref<640x16xf32, #tpu.memory_space<hbm>>
        %dma_wait3A_135 = arith.constant 0 : i32
        %dma_wait3A_136 = tpu.memref_slice %arg14[%mul3A_2, %dma_wait3A_135] : memref<10008x16xf32, #tpu.memory_space<vmem_shared>> -> memref<640x16xf32, #tpu.memory_space<vmem_shared>>
        tpu.wait_dma2 semaphore(%run_scoped3A : memref<!tpu.dma_semaphore, #tpu.memory_space<semaphore_mem>>) src(%dma_wait3A_136 : memref<640x16xf32, #tpu.memory_space<vmem_shared>>) dst(%dma_wait3A_134 : memref<640x16xf32, #tpu.memory_space<hbm>>)
        tpu.yield
      }) : () -> ()
    } else {
    }
    return
  }
}

#map = affine_map<(d0, d1) -> (0, 0)>
#map1 = affine_map<(d0, d1) -> (0, 0, 0)>
module attributes {stable_mosaic.version = 14 : i64} {
  func.func @sc_agg(%arg0: i32, %arg1: i32, %arg2: memref<10000x128xf32, #tpu.memory_space<hbm>>, %arg3: memref<32x250x40xi32, #tpu.memory_space<hbm>>, %arg4: memref<32x250x40xi32, #tpu.memory_space<hbm>>, %arg5: memref<10000x128xf32, #tpu.memory_space<hbm>>, %arg6: memref<2x10000x128xf32, #tpu.memory_space<hbm>>, %arg7: memref<250x40xi32, #tpu.memory_space<vmem>>, %arg8: memref<250x40xi32, #tpu.memory_space<vmem>>, %arg9: memref<40x128xf32, #tpu.memory_space<vmem>>, %arg10: memref<40x128xf32, #tpu.memory_space<vmem>>, %arg11: memref<40x128xf32, #tpu.memory_space<vmem>>, %arg12: memref<40x128xf32, #tpu.memory_space<vmem>>, %arg13: memref<40x128xf32, #tpu.memory_space<vmem>>, %arg14: memref<10008x128xf32, #tpu.memory_space<vmem_shared>>, %arg15: memref<5x!tpu.dma_semaphore, #tpu.memory_space<semaphore_mem>>, %arg16: memref<5x!tpu.dma_semaphore, #tpu.memory_space<semaphore_mem>>) attributes {dimension_semantics = [#tpu.dimension_semantics<core_parallel>, #tpu.dimension_semantics<subcore_parallel>], iteration_bounds = array<i64: 2, 16>, scalar_prefetch = 0 : i64, scratch_operands = 10 : i64, tpu.core_type = #tpu.core_type<sc_vector_subcore>, window_params = [{transform_indices = #map}, {transform_indices = #map1}, {transform_indices = #map1}, {transform_indices = #map}, {transform_indices = #map1}]} {
    %mul3A = arith.constant 2 : i32
    %mul3A_0 = arith.muli %arg1, %mul3A : i32
    %add3A = arith.addi %mul3A_0, %arg0 : i32
    %mul3A_1 = arith.constant 624 : i32
    %mul3A_2 = arith.muli %arg1, %mul3A_1 : i32
    %lt3A = arith.constant 15 : i32
    %lt3A_3 = arith.cmpi slt, %arg1, %lt3A : i32
    %convert_element_type3A = arith.extui %lt3A_3 : i1 to i32
    %cond3A = arith.constant 0 : i32
    %cond3A_4 = arith.cmpi ne, %convert_element_type3A, %cond3A : i32
    scf.if %cond3A_4 {
      %dma_start3A_127 = arith.constant 0 : i32
      %dma_start3A_128 = tpu.memref_slice %arg16[%dma_start3A_127] : memref<5x!tpu.dma_semaphore, #tpu.memory_space<semaphore_mem>> -> memref<1x!tpu.dma_semaphore, #tpu.memory_space<semaphore_mem>>
      %dma_start3A_129 = tpu.memref_squeeze %dma_start3A_128 : memref<1x!tpu.dma_semaphore, #tpu.memory_space<semaphore_mem>> -> memref<!tpu.dma_semaphore, #tpu.memory_space<semaphore_mem>>
      %dma_start3A_130 = arith.constant 0 : i32
      %dma_start3A_131 = tpu.memref_slice %arg14[%mul3A_2, %dma_start3A_130] : memref<10008x128xf32, #tpu.memory_space<vmem_shared>> -> memref<624x128xf32, #tpu.memory_space<vmem_shared>>
      %dma_start3A_132 = arith.constant 0 : i32
      %dma_start3A_133 = tpu.memref_slice %arg5[%mul3A_2, %dma_start3A_132] : memref<10000x128xf32, #tpu.memory_space<hbm>> -> memref<624x128xf32, #tpu.memory_space<hbm>>
      tpu.enqueue_dma source(%dma_start3A_133 : memref<624x128xf32, #tpu.memory_space<hbm>>) target(%dma_start3A_131 : memref<624x128xf32, #tpu.memory_space<vmem_shared>>) target_semaphore(%dma_start3A_129 : memref<!tpu.dma_semaphore, #tpu.memory_space<semaphore_mem>>)
    } else {
    }
    %eq3A = arith.constant 15 : i32
    %eq3A_5 = arith.cmpi eq, %arg1, %eq3A : i32
    %convert_element_type3A_6 = arith.extui %eq3A_5 : i1 to i32
    %cond3A_7 = arith.constant 0 : i32
    %cond3A_8 = arith.cmpi ne, %convert_element_type3A_6, %cond3A_7 : i32
    scf.if %cond3A_8 {
      %dma_start3A_127 = arith.constant 0 : i32
      %dma_start3A_128 = tpu.memref_slice %arg16[%dma_start3A_127] : memref<5x!tpu.dma_semaphore, #tpu.memory_space<semaphore_mem>> -> memref<1x!tpu.dma_semaphore, #tpu.memory_space<semaphore_mem>>
      %dma_start3A_129 = tpu.memref_squeeze %dma_start3A_128 : memref<1x!tpu.dma_semaphore, #tpu.memory_space<semaphore_mem>> -> memref<!tpu.dma_semaphore, #tpu.memory_space<semaphore_mem>>
      %dma_start3A_130 = arith.constant 0 : i32
      %dma_start3A_131 = tpu.memref_slice %arg14[%mul3A_2, %dma_start3A_130] : memref<10008x128xf32, #tpu.memory_space<vmem_shared>> -> memref<640x128xf32, #tpu.memory_space<vmem_shared>>
      %dma_start3A_132 = arith.constant 0 : i32
      %dma_start3A_133 = tpu.memref_slice %arg5[%mul3A_2, %dma_start3A_132] : memref<10000x128xf32, #tpu.memory_space<hbm>> -> memref<640x128xf32, #tpu.memory_space<hbm>>
      tpu.enqueue_dma source(%dma_start3A_133 : memref<640x128xf32, #tpu.memory_space<hbm>>) target(%dma_start3A_131 : memref<640x128xf32, #tpu.memory_space<vmem_shared>>) target_semaphore(%dma_start3A_129 : memref<!tpu.dma_semaphore, #tpu.memory_space<semaphore_mem>>)
    } else {
    }
    %dma_start3A = arith.constant 0 : i32
    %dma_start3A_9 = arith.constant 0 : i32
    %dma_start3A_10 = arith.constant 0 : i32
    %dma_start3A_11 = tpu.memref_slice %arg3[%add3A, %dma_start3A_9, %dma_start3A_10] : memref<32x250x40xi32, #tpu.memory_space<hbm>> -> memref<1x250x40xi32, #tpu.memory_space<hbm>>
    %dma_start3A_12 = tpu.memref_squeeze %dma_start3A_11 : memref<1x250x40xi32, #tpu.memory_space<hbm>> -> memref<250x40xi32, #tpu.memory_space<hbm>>
    %dma_start3A_13 = tpu.memref_slice %arg15[%dma_start3A] : memref<5x!tpu.dma_semaphore, #tpu.memory_space<semaphore_mem>> -> memref<1x!tpu.dma_semaphore, #tpu.memory_space<semaphore_mem>>
    %dma_start3A_14 = tpu.memref_squeeze %dma_start3A_13 : memref<1x!tpu.dma_semaphore, #tpu.memory_space<semaphore_mem>> -> memref<!tpu.dma_semaphore, #tpu.memory_space<semaphore_mem>>
    %dma_start3A_15 = arith.constant 0 : i32
    %dma_start3A_16 = arith.constant 0 : i32
    %dma_start3A_17 = tpu.memref_slice %arg3[%add3A, %dma_start3A_15, %dma_start3A_16] : memref<32x250x40xi32, #tpu.memory_space<hbm>> -> memref<1x250x40xi32, #tpu.memory_space<hbm>>
    %dma_start3A_18 = tpu.memref_squeeze %dma_start3A_17 : memref<1x250x40xi32, #tpu.memory_space<hbm>> -> memref<250x40xi32, #tpu.memory_space<hbm>>
    tpu.enqueue_dma source(%dma_start3A_18 : memref<250x40xi32, #tpu.memory_space<hbm>>) target(%arg7 : memref<250x40xi32, #tpu.memory_space<vmem>>) target_semaphore(%dma_start3A_14 : memref<!tpu.dma_semaphore, #tpu.memory_space<semaphore_mem>>)
    %dma_start3A_19 = arith.constant 1 : i32
    %dma_start3A_20 = arith.constant 0 : i32
    %dma_start3A_21 = arith.constant 0 : i32
    %dma_start3A_22 = tpu.memref_slice %arg4[%add3A, %dma_start3A_20, %dma_start3A_21] : memref<32x250x40xi32, #tpu.memory_space<hbm>> -> memref<1x250x40xi32, #tpu.memory_space<hbm>>
    %dma_start3A_23 = tpu.memref_squeeze %dma_start3A_22 : memref<1x250x40xi32, #tpu.memory_space<hbm>> -> memref<250x40xi32, #tpu.memory_space<hbm>>
    %dma_start3A_24 = tpu.memref_slice %arg15[%dma_start3A_19] : memref<5x!tpu.dma_semaphore, #tpu.memory_space<semaphore_mem>> -> memref<1x!tpu.dma_semaphore, #tpu.memory_space<semaphore_mem>>
    %dma_start3A_25 = tpu.memref_squeeze %dma_start3A_24 : memref<1x!tpu.dma_semaphore, #tpu.memory_space<semaphore_mem>> -> memref<!tpu.dma_semaphore, #tpu.memory_space<semaphore_mem>>
    %dma_start3A_26 = arith.constant 0 : i32
    %dma_start3A_27 = arith.constant 0 : i32
    %dma_start3A_28 = tpu.memref_slice %arg4[%add3A, %dma_start3A_26, %dma_start3A_27] : memref<32x250x40xi32, #tpu.memory_space<hbm>> -> memref<1x250x40xi32, #tpu.memory_space<hbm>>
    %dma_start3A_29 = tpu.memref_squeeze %dma_start3A_28 : memref<1x250x40xi32, #tpu.memory_space<hbm>> -> memref<250x40xi32, #tpu.memory_space<hbm>>
    tpu.enqueue_dma source(%dma_start3A_29 : memref<250x40xi32, #tpu.memory_space<hbm>>) target(%arg8 : memref<250x40xi32, #tpu.memory_space<vmem>>) target_semaphore(%dma_start3A_25 : memref<!tpu.dma_semaphore, #tpu.memory_space<semaphore_mem>>)
    %dma_wait3A = arith.constant 0 : i32
    %dma_wait3A_30 = arith.constant 0 : i32
    %dma_wait3A_31 = arith.constant 0 : i32
    %dma_wait3A_32 = tpu.memref_slice %arg3[%add3A, %dma_wait3A_30, %dma_wait3A_31] : memref<32x250x40xi32, #tpu.memory_space<hbm>> -> memref<1x250x40xi32, #tpu.memory_space<hbm>>
    %dma_wait3A_33 = tpu.memref_squeeze %dma_wait3A_32 : memref<1x250x40xi32, #tpu.memory_space<hbm>> -> memref<250x40xi32, #tpu.memory_space<hbm>>
    %dma_wait3A_34 = tpu.memref_slice %arg15[%dma_wait3A] : memref<5x!tpu.dma_semaphore, #tpu.memory_space<semaphore_mem>> -> memref<1x!tpu.dma_semaphore, #tpu.memory_space<semaphore_mem>>
    %dma_wait3A_35 = tpu.memref_squeeze %dma_wait3A_34 : memref<1x!tpu.dma_semaphore, #tpu.memory_space<semaphore_mem>> -> memref<!tpu.dma_semaphore, #tpu.memory_space<semaphore_mem>>
    %dma_wait3A_36 = arith.constant 0 : i32
    %dma_wait3A_37 = arith.constant 0 : i32
    %dma_wait3A_38 = tpu.memref_slice %arg3[%add3A, %dma_wait3A_36, %dma_wait3A_37] : memref<32x250x40xi32, #tpu.memory_space<hbm>> -> memref<1x250x40xi32, #tpu.memory_space<hbm>>
    %dma_wait3A_39 = tpu.memref_squeeze %dma_wait3A_38 : memref<1x250x40xi32, #tpu.memory_space<hbm>> -> memref<250x40xi32, #tpu.memory_space<hbm>>
    tpu.wait_dma2 semaphore(%dma_wait3A_35 : memref<!tpu.dma_semaphore, #tpu.memory_space<semaphore_mem>>) src(%dma_wait3A_39 : memref<250x40xi32, #tpu.memory_space<hbm>>) dst(%arg7 : memref<250x40xi32, #tpu.memory_space<vmem>>)
    %dma_wait3A_40 = arith.constant 1 : i32
    %dma_wait3A_41 = arith.constant 0 : i32
    %dma_wait3A_42 = arith.constant 0 : i32
    %dma_wait3A_43 = tpu.memref_slice %arg4[%add3A, %dma_wait3A_41, %dma_wait3A_42] : memref<32x250x40xi32, #tpu.memory_space<hbm>> -> memref<1x250x40xi32, #tpu.memory_space<hbm>>
    %dma_wait3A_44 = tpu.memref_squeeze %dma_wait3A_43 : memref<1x250x40xi32, #tpu.memory_space<hbm>> -> memref<250x40xi32, #tpu.memory_space<hbm>>
    %dma_wait3A_45 = tpu.memref_slice %arg15[%dma_wait3A_40] : memref<5x!tpu.dma_semaphore, #tpu.memory_space<semaphore_mem>> -> memref<1x!tpu.dma_semaphore, #tpu.memory_space<semaphore_mem>>
    %dma_wait3A_46 = tpu.memref_squeeze %dma_wait3A_45 : memref<1x!tpu.dma_semaphore, #tpu.memory_space<semaphore_mem>> -> memref<!tpu.dma_semaphore, #tpu.memory_space<semaphore_mem>>
    %dma_wait3A_47 = arith.constant 0 : i32
    %dma_wait3A_48 = arith.constant 0 : i32
    %dma_wait3A_49 = tpu.memref_slice %arg4[%add3A, %dma_wait3A_47, %dma_wait3A_48] : memref<32x250x40xi32, #tpu.memory_space<hbm>> -> memref<1x250x40xi32, #tpu.memory_space<hbm>>
    %dma_wait3A_50 = tpu.memref_squeeze %dma_wait3A_49 : memref<1x250x40xi32, #tpu.memory_space<hbm>> -> memref<250x40xi32, #tpu.memory_space<hbm>>
    tpu.wait_dma2 semaphore(%dma_wait3A_46 : memref<!tpu.dma_semaphore, #tpu.memory_space<semaphore_mem>>) src(%dma_wait3A_50 : memref<250x40xi32, #tpu.memory_space<hbm>>) dst(%arg8 : memref<250x40xi32, #tpu.memory_space<vmem>>)
    %lt3A_51 = arith.constant 15 : i32
    %lt3A_52 = arith.cmpi slt, %arg1, %lt3A_51 : i32
    %convert_element_type3A_53 = arith.extui %lt3A_52 : i1 to i32
    %cond3A_54 = arith.constant 0 : i32
    %cond3A_55 = arith.cmpi ne, %convert_element_type3A_53, %cond3A_54 : i32
    scf.if %cond3A_55 {
      %dma_wait3A_127 = arith.constant 0 : i32
      %dma_wait3A_128 = tpu.memref_slice %arg16[%dma_wait3A_127] : memref<5x!tpu.dma_semaphore, #tpu.memory_space<semaphore_mem>> -> memref<1x!tpu.dma_semaphore, #tpu.memory_space<semaphore_mem>>
      %dma_wait3A_129 = tpu.memref_squeeze %dma_wait3A_128 : memref<1x!tpu.dma_semaphore, #tpu.memory_space<semaphore_mem>> -> memref<!tpu.dma_semaphore, #tpu.memory_space<semaphore_mem>>
      %dma_wait3A_130 = arith.constant 0 : i32
      %dma_wait3A_131 = tpu.memref_slice %arg14[%mul3A_2, %dma_wait3A_130] : memref<10008x128xf32, #tpu.memory_space<vmem_shared>> -> memref<624x128xf32, #tpu.memory_space<vmem_shared>>
      %dma_wait3A_132 = arith.constant 0 : i32
      %dma_wait3A_133 = tpu.memref_slice %arg5[%mul3A_2, %dma_wait3A_132] : memref<10000x128xf32, #tpu.memory_space<hbm>> -> memref<624x128xf32, #tpu.memory_space<hbm>>
      tpu.wait_dma2 semaphore(%dma_wait3A_129 : memref<!tpu.dma_semaphore, #tpu.memory_space<semaphore_mem>>) src(%dma_wait3A_133 : memref<624x128xf32, #tpu.memory_space<hbm>>) dst(%dma_wait3A_131 : memref<624x128xf32, #tpu.memory_space<vmem_shared>>)
    } else {
    }
    %eq3A_56 = arith.constant 15 : i32
    %eq3A_57 = arith.cmpi eq, %arg1, %eq3A_56 : i32
    %convert_element_type3A_58 = arith.extui %eq3A_57 : i1 to i32
    %cond3A_59 = arith.constant 0 : i32
    %cond3A_60 = arith.cmpi ne, %convert_element_type3A_58, %cond3A_59 : i32
    scf.if %cond3A_60 {
      %dma_wait3A_127 = arith.constant 0 : i32
      %dma_wait3A_128 = tpu.memref_slice %arg16[%dma_wait3A_127] : memref<5x!tpu.dma_semaphore, #tpu.memory_space<semaphore_mem>> -> memref<1x!tpu.dma_semaphore, #tpu.memory_space<semaphore_mem>>
      %dma_wait3A_129 = tpu.memref_squeeze %dma_wait3A_128 : memref<1x!tpu.dma_semaphore, #tpu.memory_space<semaphore_mem>> -> memref<!tpu.dma_semaphore, #tpu.memory_space<semaphore_mem>>
      %dma_wait3A_130 = arith.constant 0 : i32
      %dma_wait3A_131 = tpu.memref_slice %arg14[%mul3A_2, %dma_wait3A_130] : memref<10008x128xf32, #tpu.memory_space<vmem_shared>> -> memref<640x128xf32, #tpu.memory_space<vmem_shared>>
      %dma_wait3A_132 = arith.constant 0 : i32
      %dma_wait3A_133 = tpu.memref_slice %arg5[%mul3A_2, %dma_wait3A_132] : memref<10000x128xf32, #tpu.memory_space<hbm>> -> memref<640x128xf32, #tpu.memory_space<hbm>>
      tpu.wait_dma2 semaphore(%dma_wait3A_129 : memref<!tpu.dma_semaphore, #tpu.memory_space<semaphore_mem>>) src(%dma_wait3A_133 : memref<640x128xf32, #tpu.memory_space<hbm>>) dst(%dma_wait3A_131 : memref<640x128xf32, #tpu.memory_space<vmem_shared>>)
    } else {
    }
    %barrier3A = arith.constant 0 : index
    tpu.barrier barrier_id(%barrier3A)
    %dma_start3A_61 = arith.constant 0 : i32
    %dma_start3A_62 = arith.constant 0 : i32
    %dma_start3A_63 = arith.constant 0 : i32
    %dma_start3A_64 = tpu.memref_slice %arg7[%dma_start3A_61, %dma_start3A_63] : memref<250x40xi32, #tpu.memory_space<vmem>> -> memref<1x40xi32, #tpu.memory_space<vmem>>
    %dma_start3A_65 = tpu.memref_squeeze %dma_start3A_64 : memref<1x40xi32, #tpu.memory_space<vmem>> -> memref<40xi32, #tpu.memory_space<vmem>>
    %dma_start3A_66 = arith.constant 0 : i32
    %dma_start3A_67 = arith.constant 0 : i32
    %dma_start3A_68 = tpu.memref_slice %arg2[%dma_start3A_66, %dma_start3A_67] : memref<10000x128xf32, #tpu.memory_space<hbm>> -> memref<10000x128xf32, #tpu.memory_space<hbm>>
    %dma_start3A_69 = tpu.memref_slice %arg15[%dma_start3A_62] : memref<5x!tpu.dma_semaphore, #tpu.memory_space<semaphore_mem>> -> memref<1x!tpu.dma_semaphore, #tpu.memory_space<semaphore_mem>>
    %dma_start3A_70 = tpu.memref_squeeze %dma_start3A_69 : memref<1x!tpu.dma_semaphore, #tpu.memory_space<semaphore_mem>> -> memref<!tpu.dma_semaphore, #tpu.memory_space<semaphore_mem>>
    tpu.enqueue_indirect_dma source(%dma_start3A_68 : memref<10000x128xf32, #tpu.memory_space<hbm>>) target(%arg9 : memref<40x128xf32, #tpu.memory_space<vmem>>) offsets(%dma_start3A_65 : memref<40xi32, #tpu.memory_space<vmem>>) semaphore(%dma_start3A_70 : memref<!tpu.dma_semaphore, #tpu.memory_space<semaphore_mem>>)
    %dma_start3A_71 = arith.constant 1 : i32
    %dma_start3A_72 = arith.constant 1 : i32
    %dma_start3A_73 = arith.constant 0 : i32
    %dma_start3A_74 = tpu.memref_slice %arg7[%dma_start3A_71, %dma_start3A_73] : memref<250x40xi32, #tpu.memory_space<vmem>> -> memref<1x40xi32, #tpu.memory_space<vmem>>
    %dma_start3A_75 = tpu.memref_squeeze %dma_start3A_74 : memref<1x40xi32, #tpu.memory_space<vmem>> -> memref<40xi32, #tpu.memory_space<vmem>>
    %dma_start3A_76 = arith.constant 0 : i32
    %dma_start3A_77 = arith.constant 0 : i32
    %dma_start3A_78 = tpu.memref_slice %arg2[%dma_start3A_76, %dma_start3A_77] : memref<10000x128xf32, #tpu.memory_space<hbm>> -> memref<10000x128xf32, #tpu.memory_space<hbm>>
    %dma_start3A_79 = tpu.memref_slice %arg15[%dma_start3A_72] : memref<5x!tpu.dma_semaphore, #tpu.memory_space<semaphore_mem>> -> memref<1x!tpu.dma_semaphore, #tpu.memory_space<semaphore_mem>>
    %dma_start3A_80 = tpu.memref_squeeze %dma_start3A_79 : memref<1x!tpu.dma_semaphore, #tpu.memory_space<semaphore_mem>> -> memref<!tpu.dma_semaphore, #tpu.memory_space<semaphore_mem>>
    tpu.enqueue_indirect_dma source(%dma_start3A_78 : memref<10000x128xf32, #tpu.memory_space<hbm>>) target(%arg10 : memref<40x128xf32, #tpu.memory_space<vmem>>) offsets(%dma_start3A_75 : memref<40xi32, #tpu.memory_space<vmem>>) semaphore(%dma_start3A_80 : memref<!tpu.dma_semaphore, #tpu.memory_space<semaphore_mem>>)
    %dma_start3A_81 = arith.constant 2 : i32
    %dma_start3A_82 = arith.constant 2 : i32
    %dma_start3A_83 = arith.constant 0 : i32
    %dma_start3A_84 = tpu.memref_slice %arg7[%dma_start3A_81, %dma_start3A_83] : memref<250x40xi32, #tpu.memory_space<vmem>> -> memref<1x40xi32, #tpu.memory_space<vmem>>
    %dma_start3A_85 = tpu.memref_squeeze %dma_start3A_84 : memref<1x40xi32, #tpu.memory_space<vmem>> -> memref<40xi32, #tpu.memory_space<vmem>>
    %dma_start3A_86 = arith.constant 0 : i32
    %dma_start3A_87 = arith.constant 0 : i32
    %dma_start3A_88 = tpu.memref_slice %arg2[%dma_start3A_86, %dma_start3A_87] : memref<10000x128xf32, #tpu.memory_space<hbm>> -> memref<10000x128xf32, #tpu.memory_space<hbm>>
    %dma_start3A_89 = tpu.memref_slice %arg15[%dma_start3A_82] : memref<5x!tpu.dma_semaphore, #tpu.memory_space<semaphore_mem>> -> memref<1x!tpu.dma_semaphore, #tpu.memory_space<semaphore_mem>>
    %dma_start3A_90 = tpu.memref_squeeze %dma_start3A_89 : memref<1x!tpu.dma_semaphore, #tpu.memory_space<semaphore_mem>> -> memref<!tpu.dma_semaphore, #tpu.memory_space<semaphore_mem>>
    tpu.enqueue_indirect_dma source(%dma_start3A_88 : memref<10000x128xf32, #tpu.memory_space<hbm>>) target(%arg11 : memref<40x128xf32, #tpu.memory_space<vmem>>) offsets(%dma_start3A_85 : memref<40xi32, #tpu.memory_space<vmem>>) semaphore(%dma_start3A_90 : memref<!tpu.dma_semaphore, #tpu.memory_space<semaphore_mem>>)
    %dma_start3A_91 = arith.constant 3 : i32
    %dma_start3A_92 = arith.constant 3 : i32
    %dma_start3A_93 = arith.constant 0 : i32
    %dma_start3A_94 = tpu.memref_slice %arg7[%dma_start3A_91, %dma_start3A_93] : memref<250x40xi32, #tpu.memory_space<vmem>> -> memref<1x40xi32, #tpu.memory_space<vmem>>
    %dma_start3A_95 = tpu.memref_squeeze %dma_start3A_94 : memref<1x40xi32, #tpu.memory_space<vmem>> -> memref<40xi32, #tpu.memory_space<vmem>>
    %dma_start3A_96 = arith.constant 0 : i32
    %dma_start3A_97 = arith.constant 0 : i32
    %dma_start3A_98 = tpu.memref_slice %arg2[%dma_start3A_96, %dma_start3A_97] : memref<10000x128xf32, #tpu.memory_space<hbm>> -> memref<10000x128xf32, #tpu.memory_space<hbm>>
    %dma_start3A_99 = tpu.memref_slice %arg15[%dma_start3A_92] : memref<5x!tpu.dma_semaphore, #tpu.memory_space<semaphore_mem>> -> memref<1x!tpu.dma_semaphore, #tpu.memory_space<semaphore_mem>>
    %dma_start3A_100 = tpu.memref_squeeze %dma_start3A_99 : memref<1x!tpu.dma_semaphore, #tpu.memory_space<semaphore_mem>> -> memref<!tpu.dma_semaphore, #tpu.memory_space<semaphore_mem>>
    tpu.enqueue_indirect_dma source(%dma_start3A_98 : memref<10000x128xf32, #tpu.memory_space<hbm>>) target(%arg12 : memref<40x128xf32, #tpu.memory_space<vmem>>) offsets(%dma_start3A_95 : memref<40xi32, #tpu.memory_space<vmem>>) semaphore(%dma_start3A_100 : memref<!tpu.dma_semaphore, #tpu.memory_space<semaphore_mem>>)
    %dma_start3A_101 = arith.constant 4 : i32
    %dma_start3A_102 = arith.constant 4 : i32
    %dma_start3A_103 = arith.constant 0 : i32
    %dma_start3A_104 = tpu.memref_slice %arg7[%dma_start3A_101, %dma_start3A_103] : memref<250x40xi32, #tpu.memory_space<vmem>> -> memref<1x40xi32, #tpu.memory_space<vmem>>
    %dma_start3A_105 = tpu.memref_squeeze %dma_start3A_104 : memref<1x40xi32, #tpu.memory_space<vmem>> -> memref<40xi32, #tpu.memory_space<vmem>>
    %dma_start3A_106 = arith.constant 0 : i32
    %dma_start3A_107 = arith.constant 0 : i32
    %dma_start3A_108 = tpu.memref_slice %arg2[%dma_start3A_106, %dma_start3A_107] : memref<10000x128xf32, #tpu.memory_space<hbm>> -> memref<10000x128xf32, #tpu.memory_space<hbm>>
    %dma_start3A_109 = tpu.memref_slice %arg15[%dma_start3A_102] : memref<5x!tpu.dma_semaphore, #tpu.memory_space<semaphore_mem>> -> memref<1x!tpu.dma_semaphore, #tpu.memory_space<semaphore_mem>>
    %dma_start3A_110 = tpu.memref_squeeze %dma_start3A_109 : memref<1x!tpu.dma_semaphore, #tpu.memory_space<semaphore_mem>> -> memref<!tpu.dma_semaphore, #tpu.memory_space<semaphore_mem>>
    tpu.enqueue_indirect_dma source(%dma_start3A_108 : memref<10000x128xf32, #tpu.memory_space<hbm>>) target(%arg13 : memref<40x128xf32, #tpu.memory_space<vmem>>) offsets(%dma_start3A_105 : memref<40xi32, #tpu.memory_space<vmem>>) semaphore(%dma_start3A_110 : memref<!tpu.dma_semaphore, #tpu.memory_space<semaphore_mem>>)
    %scan3A = arith.constant 0 : i32
    %scan3A_111 = arith.constant 0 : i32
    %scan3A_112 = arith.constant 50 : i32
    %scan3A_113 = arith.addi %scan3A_111, %scan3A_112 : i32
    %scan3A_114 = arith.constant 1 : i32
    scf.for %scan3A_127 = %scan3A_111 to %scan3A_113 step %scan3A_114  : i32 {
      %mul3A_128 = arith.constant 5 : i32
      %mul3A_129 = arith.muli %scan3A_127, %mul3A_128 : i32
      %add3A_130 = arith.constant 0 : i32
      %add3A_131 = arith.addi %mul3A_129, %add3A_130 : i32
      %dma_wait3A_132 = arith.constant 0 : i32
      %dma_wait3A_133 = arith.constant 0 : i32
      %dma_wait3A_134 = tpu.memref_slice %arg7[%add3A_131, %dma_wait3A_133] : memref<250x40xi32, #tpu.memory_space<vmem>> -> memref<1x40xi32, #tpu.memory_space<vmem>>
      %dma_wait3A_135 = tpu.memref_squeeze %dma_wait3A_134 : memref<1x40xi32, #tpu.memory_space<vmem>> -> memref<40xi32, #tpu.memory_space<vmem>>
      %dma_wait3A_136 = arith.constant 0 : i32
      %dma_wait3A_137 = arith.constant 0 : i32
      %dma_wait3A_138 = tpu.memref_slice %arg2[%dma_wait3A_136, %dma_wait3A_137] : memref<10000x128xf32, #tpu.memory_space<hbm>> -> memref<10000x128xf32, #tpu.memory_space<hbm>>
      %dma_wait3A_139 = tpu.memref_slice %arg15[%dma_wait3A_132] : memref<5x!tpu.dma_semaphore, #tpu.memory_space<semaphore_mem>> -> memref<1x!tpu.dma_semaphore, #tpu.memory_space<semaphore_mem>>
      %dma_wait3A_140 = tpu.memref_squeeze %dma_wait3A_139 : memref<1x!tpu.dma_semaphore, #tpu.memory_space<semaphore_mem>> -> memref<!tpu.dma_semaphore, #tpu.memory_space<semaphore_mem>>
      tpu.wait_indirect_dma semaphore(%dma_wait3A_140 : memref<!tpu.dma_semaphore, #tpu.memory_space<semaphore_mem>>) src(%dma_wait3A_138 : memref<10000x128xf32, #tpu.memory_space<hbm>>) dst(%arg9 : memref<40x128xf32, #tpu.memory_space<vmem>>)
      %dma_start3A_141 = arith.constant 0 : i32
      %dma_start3A_142 = arith.constant 0 : i32
      %dma_start3A_143 = tpu.memref_slice %arg8[%add3A_131, %dma_start3A_142] : memref<250x40xi32, #tpu.memory_space<vmem>> -> memref<1x40xi32, #tpu.memory_space<vmem>>
      %dma_start3A_144 = tpu.memref_squeeze %dma_start3A_143 : memref<1x40xi32, #tpu.memory_space<vmem>> -> memref<40xi32, #tpu.memory_space<vmem>>
      %dma_start3A_145 = arith.constant 0 : i32
      %dma_start3A_146 = arith.constant 0 : i32
      %dma_start3A_147 = tpu.memref_slice %arg14[%dma_start3A_145, %dma_start3A_146] : memref<10008x128xf32, #tpu.memory_space<vmem_shared>> -> memref<10008x128xf32, #tpu.memory_space<vmem_shared>>
      %dma_start3A_148 = tpu.memref_slice %arg16[%dma_start3A_141] : memref<5x!tpu.dma_semaphore, #tpu.memory_space<semaphore_mem>> -> memref<1x!tpu.dma_semaphore, #tpu.memory_space<semaphore_mem>>
      %dma_start3A_149 = tpu.memref_squeeze %dma_start3A_148 : memref<1x!tpu.dma_semaphore, #tpu.memory_space<semaphore_mem>> -> memref<!tpu.dma_semaphore, #tpu.memory_space<semaphore_mem>>
      tpu.enqueue_indirect_dma source(%arg9 : memref<40x128xf32, #tpu.memory_space<vmem>>) target(%dma_start3A_147 : memref<10008x128xf32, #tpu.memory_space<vmem_shared>>) offsets(%dma_start3A_144 : memref<40xi32, #tpu.memory_space<vmem>>) semaphore(%dma_start3A_149 : memref<!tpu.dma_semaphore, #tpu.memory_space<semaphore_mem>>) {add = true}
      %mul3A_150 = arith.constant 5 : i32
      %mul3A_151 = arith.muli %scan3A_127, %mul3A_150 : i32
      %add3A_152 = arith.constant 1 : i32
      %add3A_153 = arith.addi %mul3A_151, %add3A_152 : i32
      %dma_wait3A_154 = arith.constant 1 : i32
      %dma_wait3A_155 = arith.constant 0 : i32
      %dma_wait3A_156 = tpu.memref_slice %arg7[%add3A_153, %dma_wait3A_155] : memref<250x40xi32, #tpu.memory_space<vmem>> -> memref<1x40xi32, #tpu.memory_space<vmem>>
      %dma_wait3A_157 = tpu.memref_squeeze %dma_wait3A_156 : memref<1x40xi32, #tpu.memory_space<vmem>> -> memref<40xi32, #tpu.memory_space<vmem>>
      %dma_wait3A_158 = arith.constant 0 : i32
      %dma_wait3A_159 = arith.constant 0 : i32
      %dma_wait3A_160 = tpu.memref_slice %arg2[%dma_wait3A_158, %dma_wait3A_159] : memref<10000x128xf32, #tpu.memory_space<hbm>> -> memref<10000x128xf32, #tpu.memory_space<hbm>>
      %dma_wait3A_161 = tpu.memref_slice %arg15[%dma_wait3A_154] : memref<5x!tpu.dma_semaphore, #tpu.memory_space<semaphore_mem>> -> memref<1x!tpu.dma_semaphore, #tpu.memory_space<semaphore_mem>>
      %dma_wait3A_162 = tpu.memref_squeeze %dma_wait3A_161 : memref<1x!tpu.dma_semaphore, #tpu.memory_space<semaphore_mem>> -> memref<!tpu.dma_semaphore, #tpu.memory_space<semaphore_mem>>
      tpu.wait_indirect_dma semaphore(%dma_wait3A_162 : memref<!tpu.dma_semaphore, #tpu.memory_space<semaphore_mem>>) src(%dma_wait3A_160 : memref<10000x128xf32, #tpu.memory_space<hbm>>) dst(%arg10 : memref<40x128xf32, #tpu.memory_space<vmem>>)
      %dma_start3A_163 = arith.constant 1 : i32
      %dma_start3A_164 = arith.constant 0 : i32
      %dma_start3A_165 = tpu.memref_slice %arg8[%add3A_153, %dma_start3A_164] : memref<250x40xi32, #tpu.memory_space<vmem>> -> memref<1x40xi32, #tpu.memory_space<vmem>>
      %dma_start3A_166 = tpu.memref_squeeze %dma_start3A_165 : memref<1x40xi32, #tpu.memory_space<vmem>> -> memref<40xi32, #tpu.memory_space<vmem>>
      %dma_start3A_167 = arith.constant 0 : i32
      %dma_start3A_168 = arith.constant 0 : i32
      %dma_start3A_169 = tpu.memref_slice %arg14[%dma_start3A_167, %dma_start3A_168] : memref<10008x128xf32, #tpu.memory_space<vmem_shared>> -> memref<10008x128xf32, #tpu.memory_space<vmem_shared>>
      %dma_start3A_170 = tpu.memref_slice %arg16[%dma_start3A_163] : memref<5x!tpu.dma_semaphore, #tpu.memory_space<semaphore_mem>> -> memref<1x!tpu.dma_semaphore, #tpu.memory_space<semaphore_mem>>
      %dma_start3A_171 = tpu.memref_squeeze %dma_start3A_170 : memref<1x!tpu.dma_semaphore, #tpu.memory_space<semaphore_mem>> -> memref<!tpu.dma_semaphore, #tpu.memory_space<semaphore_mem>>
      tpu.enqueue_indirect_dma source(%arg10 : memref<40x128xf32, #tpu.memory_space<vmem>>) target(%dma_start3A_169 : memref<10008x128xf32, #tpu.memory_space<vmem_shared>>) offsets(%dma_start3A_166 : memref<40xi32, #tpu.memory_space<vmem>>) semaphore(%dma_start3A_171 : memref<!tpu.dma_semaphore, #tpu.memory_space<semaphore_mem>>) {add = true}
      %mul3A_172 = arith.constant 5 : i32
      %mul3A_173 = arith.muli %scan3A_127, %mul3A_172 : i32
      %add3A_174 = arith.constant 2 : i32
      %add3A_175 = arith.addi %mul3A_173, %add3A_174 : i32
      %dma_wait3A_176 = arith.constant 2 : i32
      %dma_wait3A_177 = arith.constant 0 : i32
      %dma_wait3A_178 = tpu.memref_slice %arg7[%add3A_175, %dma_wait3A_177] : memref<250x40xi32, #tpu.memory_space<vmem>> -> memref<1x40xi32, #tpu.memory_space<vmem>>
      %dma_wait3A_179 = tpu.memref_squeeze %dma_wait3A_178 : memref<1x40xi32, #tpu.memory_space<vmem>> -> memref<40xi32, #tpu.memory_space<vmem>>
      %dma_wait3A_180 = arith.constant 0 : i32
      %dma_wait3A_181 = arith.constant 0 : i32
      %dma_wait3A_182 = tpu.memref_slice %arg2[%dma_wait3A_180, %dma_wait3A_181] : memref<10000x128xf32, #tpu.memory_space<hbm>> -> memref<10000x128xf32, #tpu.memory_space<hbm>>
      %dma_wait3A_183 = tpu.memref_slice %arg15[%dma_wait3A_176] : memref<5x!tpu.dma_semaphore, #tpu.memory_space<semaphore_mem>> -> memref<1x!tpu.dma_semaphore, #tpu.memory_space<semaphore_mem>>
      %dma_wait3A_184 = tpu.memref_squeeze %dma_wait3A_183 : memref<1x!tpu.dma_semaphore, #tpu.memory_space<semaphore_mem>> -> memref<!tpu.dma_semaphore, #tpu.memory_space<semaphore_mem>>
      tpu.wait_indirect_dma semaphore(%dma_wait3A_184 : memref<!tpu.dma_semaphore, #tpu.memory_space<semaphore_mem>>) src(%dma_wait3A_182 : memref<10000x128xf32, #tpu.memory_space<hbm>>) dst(%arg11 : memref<40x128xf32, #tpu.memory_space<vmem>>)
      %dma_start3A_185 = arith.constant 2 : i32
      %dma_start3A_186 = arith.constant 0 : i32
      %dma_start3A_187 = tpu.memref_slice %arg8[%add3A_175, %dma_start3A_186] : memref<250x40xi32, #tpu.memory_space<vmem>> -> memref<1x40xi32, #tpu.memory_space<vmem>>
      %dma_start3A_188 = tpu.memref_squeeze %dma_start3A_187 : memref<1x40xi32, #tpu.memory_space<vmem>> -> memref<40xi32, #tpu.memory_space<vmem>>
      %dma_start3A_189 = arith.constant 0 : i32
      %dma_start3A_190 = arith.constant 0 : i32
      %dma_start3A_191 = tpu.memref_slice %arg14[%dma_start3A_189, %dma_start3A_190] : memref<10008x128xf32, #tpu.memory_space<vmem_shared>> -> memref<10008x128xf32, #tpu.memory_space<vmem_shared>>
      %dma_start3A_192 = tpu.memref_slice %arg16[%dma_start3A_185] : memref<5x!tpu.dma_semaphore, #tpu.memory_space<semaphore_mem>> -> memref<1x!tpu.dma_semaphore, #tpu.memory_space<semaphore_mem>>
      %dma_start3A_193 = tpu.memref_squeeze %dma_start3A_192 : memref<1x!tpu.dma_semaphore, #tpu.memory_space<semaphore_mem>> -> memref<!tpu.dma_semaphore, #tpu.memory_space<semaphore_mem>>
      tpu.enqueue_indirect_dma source(%arg11 : memref<40x128xf32, #tpu.memory_space<vmem>>) target(%dma_start3A_191 : memref<10008x128xf32, #tpu.memory_space<vmem_shared>>) offsets(%dma_start3A_188 : memref<40xi32, #tpu.memory_space<vmem>>) semaphore(%dma_start3A_193 : memref<!tpu.dma_semaphore, #tpu.memory_space<semaphore_mem>>) {add = true}
      %mul3A_194 = arith.constant 5 : i32
      %mul3A_195 = arith.muli %scan3A_127, %mul3A_194 : i32
      %add3A_196 = arith.constant 3 : i32
      %add3A_197 = arith.addi %mul3A_195, %add3A_196 : i32
      %dma_wait3A_198 = arith.constant 3 : i32
      %dma_wait3A_199 = arith.constant 0 : i32
      %dma_wait3A_200 = tpu.memref_slice %arg7[%add3A_197, %dma_wait3A_199] : memref<250x40xi32, #tpu.memory_space<vmem>> -> memref<1x40xi32, #tpu.memory_space<vmem>>
      %dma_wait3A_201 = tpu.memref_squeeze %dma_wait3A_200 : memref<1x40xi32, #tpu.memory_space<vmem>> -> memref<40xi32, #tpu.memory_space<vmem>>
      %dma_wait3A_202 = arith.constant 0 : i32
      %dma_wait3A_203 = arith.constant 0 : i32
      %dma_wait3A_204 = tpu.memref_slice %arg2[%dma_wait3A_202, %dma_wait3A_203] : memref<10000x128xf32, #tpu.memory_space<hbm>> -> memref<10000x128xf32, #tpu.memory_space<hbm>>
      %dma_wait3A_205 = tpu.memref_slice %arg15[%dma_wait3A_198] : memref<5x!tpu.dma_semaphore, #tpu.memory_space<semaphore_mem>> -> memref<1x!tpu.dma_semaphore, #tpu.memory_space<semaphore_mem>>
      %dma_wait3A_206 = tpu.memref_squeeze %dma_wait3A_205 : memref<1x!tpu.dma_semaphore, #tpu.memory_space<semaphore_mem>> -> memref<!tpu.dma_semaphore, #tpu.memory_space<semaphore_mem>>
      tpu.wait_indirect_dma semaphore(%dma_wait3A_206 : memref<!tpu.dma_semaphore, #tpu.memory_space<semaphore_mem>>) src(%dma_wait3A_204 : memref<10000x128xf32, #tpu.memory_space<hbm>>) dst(%arg12 : memref<40x128xf32, #tpu.memory_space<vmem>>)
      %dma_start3A_207 = arith.constant 3 : i32
      %dma_start3A_208 = arith.constant 0 : i32
      %dma_start3A_209 = tpu.memref_slice %arg8[%add3A_197, %dma_start3A_208] : memref<250x40xi32, #tpu.memory_space<vmem>> -> memref<1x40xi32, #tpu.memory_space<vmem>>
      %dma_start3A_210 = tpu.memref_squeeze %dma_start3A_209 : memref<1x40xi32, #tpu.memory_space<vmem>> -> memref<40xi32, #tpu.memory_space<vmem>>
      %dma_start3A_211 = arith.constant 0 : i32
      %dma_start3A_212 = arith.constant 0 : i32
      %dma_start3A_213 = tpu.memref_slice %arg14[%dma_start3A_211, %dma_start3A_212] : memref<10008x128xf32, #tpu.memory_space<vmem_shared>> -> memref<10008x128xf32, #tpu.memory_space<vmem_shared>>
      %dma_start3A_214 = tpu.memref_slice %arg16[%dma_start3A_207] : memref<5x!tpu.dma_semaphore, #tpu.memory_space<semaphore_mem>> -> memref<1x!tpu.dma_semaphore, #tpu.memory_space<semaphore_mem>>
      %dma_start3A_215 = tpu.memref_squeeze %dma_start3A_214 : memref<1x!tpu.dma_semaphore, #tpu.memory_space<semaphore_mem>> -> memref<!tpu.dma_semaphore, #tpu.memory_space<semaphore_mem>>
      tpu.enqueue_indirect_dma source(%arg12 : memref<40x128xf32, #tpu.memory_space<vmem>>) target(%dma_start3A_213 : memref<10008x128xf32, #tpu.memory_space<vmem_shared>>) offsets(%dma_start3A_210 : memref<40xi32, #tpu.memory_space<vmem>>) semaphore(%dma_start3A_215 : memref<!tpu.dma_semaphore, #tpu.memory_space<semaphore_mem>>) {add = true}
      %mul3A_216 = arith.constant 5 : i32
      %mul3A_217 = arith.muli %scan3A_127, %mul3A_216 : i32
      %add3A_218 = arith.constant 4 : i32
      %add3A_219 = arith.addi %mul3A_217, %add3A_218 : i32
      %dma_wait3A_220 = arith.constant 4 : i32
      %dma_wait3A_221 = arith.constant 0 : i32
      %dma_wait3A_222 = tpu.memref_slice %arg7[%add3A_219, %dma_wait3A_221] : memref<250x40xi32, #tpu.memory_space<vmem>> -> memref<1x40xi32, #tpu.memory_space<vmem>>
      %dma_wait3A_223 = tpu.memref_squeeze %dma_wait3A_222 : memref<1x40xi32, #tpu.memory_space<vmem>> -> memref<40xi32, #tpu.memory_space<vmem>>
      %dma_wait3A_224 = arith.constant 0 : i32
      %dma_wait3A_225 = arith.constant 0 : i32
      %dma_wait3A_226 = tpu.memref_slice %arg2[%dma_wait3A_224, %dma_wait3A_225] : memref<10000x128xf32, #tpu.memory_space<hbm>> -> memref<10000x128xf32, #tpu.memory_space<hbm>>
      %dma_wait3A_227 = tpu.memref_slice %arg15[%dma_wait3A_220] : memref<5x!tpu.dma_semaphore, #tpu.memory_space<semaphore_mem>> -> memref<1x!tpu.dma_semaphore, #tpu.memory_space<semaphore_mem>>
      %dma_wait3A_228 = tpu.memref_squeeze %dma_wait3A_227 : memref<1x!tpu.dma_semaphore, #tpu.memory_space<semaphore_mem>> -> memref<!tpu.dma_semaphore, #tpu.memory_space<semaphore_mem>>
      tpu.wait_indirect_dma semaphore(%dma_wait3A_228 : memref<!tpu.dma_semaphore, #tpu.memory_space<semaphore_mem>>) src(%dma_wait3A_226 : memref<10000x128xf32, #tpu.memory_space<hbm>>) dst(%arg13 : memref<40x128xf32, #tpu.memory_space<vmem>>)
      %dma_start3A_229 = arith.constant 4 : i32
      %dma_start3A_230 = arith.constant 0 : i32
      %dma_start3A_231 = tpu.memref_slice %arg8[%add3A_219, %dma_start3A_230] : memref<250x40xi32, #tpu.memory_space<vmem>> -> memref<1x40xi32, #tpu.memory_space<vmem>>
      %dma_start3A_232 = tpu.memref_squeeze %dma_start3A_231 : memref<1x40xi32, #tpu.memory_space<vmem>> -> memref<40xi32, #tpu.memory_space<vmem>>
      %dma_start3A_233 = arith.constant 0 : i32
      %dma_start3A_234 = arith.constant 0 : i32
      %dma_start3A_235 = tpu.memref_slice %arg14[%dma_start3A_233, %dma_start3A_234] : memref<10008x128xf32, #tpu.memory_space<vmem_shared>> -> memref<10008x128xf32, #tpu.memory_space<vmem_shared>>
      %dma_start3A_236 = tpu.memref_slice %arg16[%dma_start3A_229] : memref<5x!tpu.dma_semaphore, #tpu.memory_space<semaphore_mem>> -> memref<1x!tpu.dma_semaphore, #tpu.memory_space<semaphore_mem>>
      %dma_start3A_237 = tpu.memref_squeeze %dma_start3A_236 : memref<1x!tpu.dma_semaphore, #tpu.memory_space<semaphore_mem>> -> memref<!tpu.dma_semaphore, #tpu.memory_space<semaphore_mem>>
      tpu.enqueue_indirect_dma source(%arg13 : memref<40x128xf32, #tpu.memory_space<vmem>>) target(%dma_start3A_235 : memref<10008x128xf32, #tpu.memory_space<vmem_shared>>) offsets(%dma_start3A_232 : memref<40xi32, #tpu.memory_space<vmem>>) semaphore(%dma_start3A_237 : memref<!tpu.dma_semaphore, #tpu.memory_space<semaphore_mem>>) {add = true}
      %dma_wait3A_238 = arith.constant 0 : i32
      %dma_wait3A_239 = arith.constant 0 : i32
      %dma_wait3A_240 = tpu.memref_slice %arg8[%add3A_131, %dma_wait3A_239] : memref<250x40xi32, #tpu.memory_space<vmem>> -> memref<1x40xi32, #tpu.memory_space<vmem>>
      %dma_wait3A_241 = tpu.memref_squeeze %dma_wait3A_240 : memref<1x40xi32, #tpu.memory_space<vmem>> -> memref<40xi32, #tpu.memory_space<vmem>>
      %dma_wait3A_242 = arith.constant 0 : i32
      %dma_wait3A_243 = arith.constant 0 : i32
      %dma_wait3A_244 = tpu.memref_slice %arg14[%dma_wait3A_242, %dma_wait3A_243] : memref<10008x128xf32, #tpu.memory_space<vmem_shared>> -> memref<10008x128xf32, #tpu.memory_space<vmem_shared>>
      %dma_wait3A_245 = tpu.memref_slice %arg16[%dma_wait3A_238] : memref<5x!tpu.dma_semaphore, #tpu.memory_space<semaphore_mem>> -> memref<1x!tpu.dma_semaphore, #tpu.memory_space<semaphore_mem>>
      %dma_wait3A_246 = tpu.memref_squeeze %dma_wait3A_245 : memref<1x!tpu.dma_semaphore, #tpu.memory_space<semaphore_mem>> -> memref<!tpu.dma_semaphore, #tpu.memory_space<semaphore_mem>>
      tpu.wait_indirect_dma semaphore(%dma_wait3A_246 : memref<!tpu.dma_semaphore, #tpu.memory_space<semaphore_mem>>) src(%arg9 : memref<40x128xf32, #tpu.memory_space<vmem>>) dst(%dma_wait3A_244 : memref<10008x128xf32, #tpu.memory_space<vmem_shared>>)
      %add3A_247 = arith.constant 1 : i32
      %add3A_248 = arith.addi %scan3A_127, %add3A_247 : i32
      %lt3A_249 = arith.constant 50 : i32
      %lt3A_250 = arith.cmpi slt, %add3A_248, %lt3A_249 : i32
      %convert_element_type3A_251 = arith.extui %lt3A_250 : i1 to i32
      %cond3A_252 = arith.constant 0 : i32
      %cond3A_253 = arith.cmpi ne, %convert_element_type3A_251, %cond3A_252 : i32
      scf.if %cond3A_253 {
        %add3A_318 = arith.constant 1 : i32
        %add3A_319 = arith.addi %scan3A_127, %add3A_318 : i32
        %mul3A_320 = arith.constant 5 : i32
        %mul3A_321 = arith.muli %add3A_319, %mul3A_320 : i32
        %add3A_322 = arith.constant 0 : i32
        %add3A_323 = arith.addi %mul3A_321, %add3A_322 : i32
        %dma_start3A_324 = arith.constant 0 : i32
        %dma_start3A_325 = arith.constant 0 : i32
        %dma_start3A_326 = tpu.memref_slice %arg7[%add3A_323, %dma_start3A_325] : memref<250x40xi32, #tpu.memory_space<vmem>> -> memref<1x40xi32, #tpu.memory_space<vmem>>
        %dma_start3A_327 = tpu.memref_squeeze %dma_start3A_326 : memref<1x40xi32, #tpu.memory_space<vmem>> -> memref<40xi32, #tpu.memory_space<vmem>>
        %dma_start3A_328 = arith.constant 0 : i32
        %dma_start3A_329 = arith.constant 0 : i32
        %dma_start3A_330 = tpu.memref_slice %arg2[%dma_start3A_328, %dma_start3A_329] : memref<10000x128xf32, #tpu.memory_space<hbm>> -> memref<10000x128xf32, #tpu.memory_space<hbm>>
        %dma_start3A_331 = tpu.memref_slice %arg15[%dma_start3A_324] : memref<5x!tpu.dma_semaphore, #tpu.memory_space<semaphore_mem>> -> memref<1x!tpu.dma_semaphore, #tpu.memory_space<semaphore_mem>>
        %dma_start3A_332 = tpu.memref_squeeze %dma_start3A_331 : memref<1x!tpu.dma_semaphore, #tpu.memory_space<semaphore_mem>> -> memref<!tpu.dma_semaphore, #tpu.memory_space<semaphore_mem>>
        tpu.enqueue_indirect_dma source(%dma_start3A_330 : memref<10000x128xf32, #tpu.memory_space<hbm>>) target(%arg9 : memref<40x128xf32, #tpu.memory_space<vmem>>) offsets(%dma_start3A_327 : memref<40xi32, #tpu.memory_space<vmem>>) semaphore(%dma_start3A_332 : memref<!tpu.dma_semaphore, #tpu.memory_space<semaphore_mem>>)
      } else {
      }
      %dma_wait3A_254 = arith.constant 1 : i32
      %dma_wait3A_255 = arith.constant 0 : i32
      %dma_wait3A_256 = tpu.memref_slice %arg8[%add3A_153, %dma_wait3A_255] : memref<250x40xi32, #tpu.memory_space<vmem>> -> memref<1x40xi32, #tpu.memory_space<vmem>>
      %dma_wait3A_257 = tpu.memref_squeeze %dma_wait3A_256 : memref<1x40xi32, #tpu.memory_space<vmem>> -> memref<40xi32, #tpu.memory_space<vmem>>
      %dma_wait3A_258 = arith.constant 0 : i32
      %dma_wait3A_259 = arith.constant 0 : i32
      %dma_wait3A_260 = tpu.memref_slice %arg14[%dma_wait3A_258, %dma_wait3A_259] : memref<10008x128xf32, #tpu.memory_space<vmem_shared>> -> memref<10008x128xf32, #tpu.memory_space<vmem_shared>>
      %dma_wait3A_261 = tpu.memref_slice %arg16[%dma_wait3A_254] : memref<5x!tpu.dma_semaphore, #tpu.memory_space<semaphore_mem>> -> memref<1x!tpu.dma_semaphore, #tpu.memory_space<semaphore_mem>>
      %dma_wait3A_262 = tpu.memref_squeeze %dma_wait3A_261 : memref<1x!tpu.dma_semaphore, #tpu.memory_space<semaphore_mem>> -> memref<!tpu.dma_semaphore, #tpu.memory_space<semaphore_mem>>
      tpu.wait_indirect_dma semaphore(%dma_wait3A_262 : memref<!tpu.dma_semaphore, #tpu.memory_space<semaphore_mem>>) src(%arg10 : memref<40x128xf32, #tpu.memory_space<vmem>>) dst(%dma_wait3A_260 : memref<10008x128xf32, #tpu.memory_space<vmem_shared>>)
      %add3A_263 = arith.constant 1 : i32
      %add3A_264 = arith.addi %scan3A_127, %add3A_263 : i32
      %lt3A_265 = arith.constant 50 : i32
      %lt3A_266 = arith.cmpi slt, %add3A_264, %lt3A_265 : i32
      %convert_element_type3A_267 = arith.extui %lt3A_266 : i1 to i32
      %cond3A_268 = arith.constant 0 : i32
      %cond3A_269 = arith.cmpi ne, %convert_element_type3A_267, %cond3A_268 : i32
      scf.if %cond3A_269 {
        %add3A_318 = arith.constant 1 : i32
        %add3A_319 = arith.addi %scan3A_127, %add3A_318 : i32
        %mul3A_320 = arith.constant 5 : i32
        %mul3A_321 = arith.muli %add3A_319, %mul3A_320 : i32
        %add3A_322 = arith.constant 1 : i32
        %add3A_323 = arith.addi %mul3A_321, %add3A_322 : i32
        %dma_start3A_324 = arith.constant 1 : i32
        %dma_start3A_325 = arith.constant 0 : i32
        %dma_start3A_326 = tpu.memref_slice %arg7[%add3A_323, %dma_start3A_325] : memref<250x40xi32, #tpu.memory_space<vmem>> -> memref<1x40xi32, #tpu.memory_space<vmem>>
        %dma_start3A_327 = tpu.memref_squeeze %dma_start3A_326 : memref<1x40xi32, #tpu.memory_space<vmem>> -> memref<40xi32, #tpu.memory_space<vmem>>
        %dma_start3A_328 = arith.constant 0 : i32
        %dma_start3A_329 = arith.constant 0 : i32
        %dma_start3A_330 = tpu.memref_slice %arg2[%dma_start3A_328, %dma_start3A_329] : memref<10000x128xf32, #tpu.memory_space<hbm>> -> memref<10000x128xf32, #tpu.memory_space<hbm>>
        %dma_start3A_331 = tpu.memref_slice %arg15[%dma_start3A_324] : memref<5x!tpu.dma_semaphore, #tpu.memory_space<semaphore_mem>> -> memref<1x!tpu.dma_semaphore, #tpu.memory_space<semaphore_mem>>
        %dma_start3A_332 = tpu.memref_squeeze %dma_start3A_331 : memref<1x!tpu.dma_semaphore, #tpu.memory_space<semaphore_mem>> -> memref<!tpu.dma_semaphore, #tpu.memory_space<semaphore_mem>>
        tpu.enqueue_indirect_dma source(%dma_start3A_330 : memref<10000x128xf32, #tpu.memory_space<hbm>>) target(%arg10 : memref<40x128xf32, #tpu.memory_space<vmem>>) offsets(%dma_start3A_327 : memref<40xi32, #tpu.memory_space<vmem>>) semaphore(%dma_start3A_332 : memref<!tpu.dma_semaphore, #tpu.memory_space<semaphore_mem>>)
      } else {
      }
      %dma_wait3A_270 = arith.constant 2 : i32
      %dma_wait3A_271 = arith.constant 0 : i32
      %dma_wait3A_272 = tpu.memref_slice %arg8[%add3A_175, %dma_wait3A_271] : memref<250x40xi32, #tpu.memory_space<vmem>> -> memref<1x40xi32, #tpu.memory_space<vmem>>
      %dma_wait3A_273 = tpu.memref_squeeze %dma_wait3A_272 : memref<1x40xi32, #tpu.memory_space<vmem>> -> memref<40xi32, #tpu.memory_space<vmem>>
      %dma_wait3A_274 = arith.constant 0 : i32
      %dma_wait3A_275 = arith.constant 0 : i32
      %dma_wait3A_276 = tpu.memref_slice %arg14[%dma_wait3A_274, %dma_wait3A_275] : memref<10008x128xf32, #tpu.memory_space<vmem_shared>> -> memref<10008x128xf32, #tpu.memory_space<vmem_shared>>
      %dma_wait3A_277 = tpu.memref_slice %arg16[%dma_wait3A_270] : memref<5x!tpu.dma_semaphore, #tpu.memory_space<semaphore_mem>> -> memref<1x!tpu.dma_semaphore, #tpu.memory_space<semaphore_mem>>
      %dma_wait3A_278 = tpu.memref_squeeze %dma_wait3A_277 : memref<1x!tpu.dma_semaphore, #tpu.memory_space<semaphore_mem>> -> memref<!tpu.dma_semaphore, #tpu.memory_space<semaphore_mem>>
      tpu.wait_indirect_dma semaphore(%dma_wait3A_278 : memref<!tpu.dma_semaphore, #tpu.memory_space<semaphore_mem>>) src(%arg11 : memref<40x128xf32, #tpu.memory_space<vmem>>) dst(%dma_wait3A_276 : memref<10008x128xf32, #tpu.memory_space<vmem_shared>>)
      %add3A_279 = arith.constant 1 : i32
      %add3A_280 = arith.addi %scan3A_127, %add3A_279 : i32
      %lt3A_281 = arith.constant 50 : i32
      %lt3A_282 = arith.cmpi slt, %add3A_280, %lt3A_281 : i32
      %convert_element_type3A_283 = arith.extui %lt3A_282 : i1 to i32
      %cond3A_284 = arith.constant 0 : i32
      %cond3A_285 = arith.cmpi ne, %convert_element_type3A_283, %cond3A_284 : i32
      scf.if %cond3A_285 {
        %add3A_318 = arith.constant 1 : i32
        %add3A_319 = arith.addi %scan3A_127, %add3A_318 : i32
        %mul3A_320 = arith.constant 5 : i32
        %mul3A_321 = arith.muli %add3A_319, %mul3A_320 : i32
        %add3A_322 = arith.constant 2 : i32
        %add3A_323 = arith.addi %mul3A_321, %add3A_322 : i32
        %dma_start3A_324 = arith.constant 2 : i32
        %dma_start3A_325 = arith.constant 0 : i32
        %dma_start3A_326 = tpu.memref_slice %arg7[%add3A_323, %dma_start3A_325] : memref<250x40xi32, #tpu.memory_space<vmem>> -> memref<1x40xi32, #tpu.memory_space<vmem>>
        %dma_start3A_327 = tpu.memref_squeeze %dma_start3A_326 : memref<1x40xi32, #tpu.memory_space<vmem>> -> memref<40xi32, #tpu.memory_space<vmem>>
        %dma_start3A_328 = arith.constant 0 : i32
        %dma_start3A_329 = arith.constant 0 : i32
        %dma_start3A_330 = tpu.memref_slice %arg2[%dma_start3A_328, %dma_start3A_329] : memref<10000x128xf32, #tpu.memory_space<hbm>> -> memref<10000x128xf32, #tpu.memory_space<hbm>>
        %dma_start3A_331 = tpu.memref_slice %arg15[%dma_start3A_324] : memref<5x!tpu.dma_semaphore, #tpu.memory_space<semaphore_mem>> -> memref<1x!tpu.dma_semaphore, #tpu.memory_space<semaphore_mem>>
        %dma_start3A_332 = tpu.memref_squeeze %dma_start3A_331 : memref<1x!tpu.dma_semaphore, #tpu.memory_space<semaphore_mem>> -> memref<!tpu.dma_semaphore, #tpu.memory_space<semaphore_mem>>
        tpu.enqueue_indirect_dma source(%dma_start3A_330 : memref<10000x128xf32, #tpu.memory_space<hbm>>) target(%arg11 : memref<40x128xf32, #tpu.memory_space<vmem>>) offsets(%dma_start3A_327 : memref<40xi32, #tpu.memory_space<vmem>>) semaphore(%dma_start3A_332 : memref<!tpu.dma_semaphore, #tpu.memory_space<semaphore_mem>>)
      } else {
      }
      %dma_wait3A_286 = arith.constant 3 : i32
      %dma_wait3A_287 = arith.constant 0 : i32
      %dma_wait3A_288 = tpu.memref_slice %arg8[%add3A_197, %dma_wait3A_287] : memref<250x40xi32, #tpu.memory_space<vmem>> -> memref<1x40xi32, #tpu.memory_space<vmem>>
      %dma_wait3A_289 = tpu.memref_squeeze %dma_wait3A_288 : memref<1x40xi32, #tpu.memory_space<vmem>> -> memref<40xi32, #tpu.memory_space<vmem>>
      %dma_wait3A_290 = arith.constant 0 : i32
      %dma_wait3A_291 = arith.constant 0 : i32
      %dma_wait3A_292 = tpu.memref_slice %arg14[%dma_wait3A_290, %dma_wait3A_291] : memref<10008x128xf32, #tpu.memory_space<vmem_shared>> -> memref<10008x128xf32, #tpu.memory_space<vmem_shared>>
      %dma_wait3A_293 = tpu.memref_slice %arg16[%dma_wait3A_286] : memref<5x!tpu.dma_semaphore, #tpu.memory_space<semaphore_mem>> -> memref<1x!tpu.dma_semaphore, #tpu.memory_space<semaphore_mem>>
      %dma_wait3A_294 = tpu.memref_squeeze %dma_wait3A_293 : memref<1x!tpu.dma_semaphore, #tpu.memory_space<semaphore_mem>> -> memref<!tpu.dma_semaphore, #tpu.memory_space<semaphore_mem>>
      tpu.wait_indirect_dma semaphore(%dma_wait3A_294 : memref<!tpu.dma_semaphore, #tpu.memory_space<semaphore_mem>>) src(%arg12 : memref<40x128xf32, #tpu.memory_space<vmem>>) dst(%dma_wait3A_292 : memref<10008x128xf32, #tpu.memory_space<vmem_shared>>)
      %add3A_295 = arith.constant 1 : i32
      %add3A_296 = arith.addi %scan3A_127, %add3A_295 : i32
      %lt3A_297 = arith.constant 50 : i32
      %lt3A_298 = arith.cmpi slt, %add3A_296, %lt3A_297 : i32
      %convert_element_type3A_299 = arith.extui %lt3A_298 : i1 to i32
      %cond3A_300 = arith.constant 0 : i32
      %cond3A_301 = arith.cmpi ne, %convert_element_type3A_299, %cond3A_300 : i32
      scf.if %cond3A_301 {
        %add3A_318 = arith.constant 1 : i32
        %add3A_319 = arith.addi %scan3A_127, %add3A_318 : i32
        %mul3A_320 = arith.constant 5 : i32
        %mul3A_321 = arith.muli %add3A_319, %mul3A_320 : i32
        %add3A_322 = arith.constant 3 : i32
        %add3A_323 = arith.addi %mul3A_321, %add3A_322 : i32
        %dma_start3A_324 = arith.constant 3 : i32
        %dma_start3A_325 = arith.constant 0 : i32
        %dma_start3A_326 = tpu.memref_slice %arg7[%add3A_323, %dma_start3A_325] : memref<250x40xi32, #tpu.memory_space<vmem>> -> memref<1x40xi32, #tpu.memory_space<vmem>>
        %dma_start3A_327 = tpu.memref_squeeze %dma_start3A_326 : memref<1x40xi32, #tpu.memory_space<vmem>> -> memref<40xi32, #tpu.memory_space<vmem>>
        %dma_start3A_328 = arith.constant 0 : i32
        %dma_start3A_329 = arith.constant 0 : i32
        %dma_start3A_330 = tpu.memref_slice %arg2[%dma_start3A_328, %dma_start3A_329] : memref<10000x128xf32, #tpu.memory_space<hbm>> -> memref<10000x128xf32, #tpu.memory_space<hbm>>
        %dma_start3A_331 = tpu.memref_slice %arg15[%dma_start3A_324] : memref<5x!tpu.dma_semaphore, #tpu.memory_space<semaphore_mem>> -> memref<1x!tpu.dma_semaphore, #tpu.memory_space<semaphore_mem>>
        %dma_start3A_332 = tpu.memref_squeeze %dma_start3A_331 : memref<1x!tpu.dma_semaphore, #tpu.memory_space<semaphore_mem>> -> memref<!tpu.dma_semaphore, #tpu.memory_space<semaphore_mem>>
        tpu.enqueue_indirect_dma source(%dma_start3A_330 : memref<10000x128xf32, #tpu.memory_space<hbm>>) target(%arg12 : memref<40x128xf32, #tpu.memory_space<vmem>>) offsets(%dma_start3A_327 : memref<40xi32, #tpu.memory_space<vmem>>) semaphore(%dma_start3A_332 : memref<!tpu.dma_semaphore, #tpu.memory_space<semaphore_mem>>)
      } else {
      }
      %dma_wait3A_302 = arith.constant 4 : i32
      %dma_wait3A_303 = arith.constant 0 : i32
      %dma_wait3A_304 = tpu.memref_slice %arg8[%add3A_219, %dma_wait3A_303] : memref<250x40xi32, #tpu.memory_space<vmem>> -> memref<1x40xi32, #tpu.memory_space<vmem>>
      %dma_wait3A_305 = tpu.memref_squeeze %dma_wait3A_304 : memref<1x40xi32, #tpu.memory_space<vmem>> -> memref<40xi32, #tpu.memory_space<vmem>>
      %dma_wait3A_306 = arith.constant 0 : i32
      %dma_wait3A_307 = arith.constant 0 : i32
      %dma_wait3A_308 = tpu.memref_slice %arg14[%dma_wait3A_306, %dma_wait3A_307] : memref<10008x128xf32, #tpu.memory_space<vmem_shared>> -> memref<10008x128xf32, #tpu.memory_space<vmem_shared>>
      %dma_wait3A_309 = tpu.memref_slice %arg16[%dma_wait3A_302] : memref<5x!tpu.dma_semaphore, #tpu.memory_space<semaphore_mem>> -> memref<1x!tpu.dma_semaphore, #tpu.memory_space<semaphore_mem>>
      %dma_wait3A_310 = tpu.memref_squeeze %dma_wait3A_309 : memref<1x!tpu.dma_semaphore, #tpu.memory_space<semaphore_mem>> -> memref<!tpu.dma_semaphore, #tpu.memory_space<semaphore_mem>>
      tpu.wait_indirect_dma semaphore(%dma_wait3A_310 : memref<!tpu.dma_semaphore, #tpu.memory_space<semaphore_mem>>) src(%arg13 : memref<40x128xf32, #tpu.memory_space<vmem>>) dst(%dma_wait3A_308 : memref<10008x128xf32, #tpu.memory_space<vmem_shared>>)
      %add3A_311 = arith.constant 1 : i32
      %add3A_312 = arith.addi %scan3A_127, %add3A_311 : i32
      %lt3A_313 = arith.constant 50 : i32
      %lt3A_314 = arith.cmpi slt, %add3A_312, %lt3A_313 : i32
      %convert_element_type3A_315 = arith.extui %lt3A_314 : i1 to i32
      %cond3A_316 = arith.constant 0 : i32
      %cond3A_317 = arith.cmpi ne, %convert_element_type3A_315, %cond3A_316 : i32
      scf.if %cond3A_317 {
        %add3A_318 = arith.constant 1 : i32
        %add3A_319 = arith.addi %scan3A_127, %add3A_318 : i32
        %mul3A_320 = arith.constant 5 : i32
        %mul3A_321 = arith.muli %add3A_319, %mul3A_320 : i32
        %add3A_322 = arith.constant 4 : i32
        %add3A_323 = arith.addi %mul3A_321, %add3A_322 : i32
        %dma_start3A_324 = arith.constant 4 : i32
        %dma_start3A_325 = arith.constant 0 : i32
        %dma_start3A_326 = tpu.memref_slice %arg7[%add3A_323, %dma_start3A_325] : memref<250x40xi32, #tpu.memory_space<vmem>> -> memref<1x40xi32, #tpu.memory_space<vmem>>
        %dma_start3A_327 = tpu.memref_squeeze %dma_start3A_326 : memref<1x40xi32, #tpu.memory_space<vmem>> -> memref<40xi32, #tpu.memory_space<vmem>>
        %dma_start3A_328 = arith.constant 0 : i32
        %dma_start3A_329 = arith.constant 0 : i32
        %dma_start3A_330 = tpu.memref_slice %arg2[%dma_start3A_328, %dma_start3A_329] : memref<10000x128xf32, #tpu.memory_space<hbm>> -> memref<10000x128xf32, #tpu.memory_space<hbm>>
        %dma_start3A_331 = tpu.memref_slice %arg15[%dma_start3A_324] : memref<5x!tpu.dma_semaphore, #tpu.memory_space<semaphore_mem>> -> memref<1x!tpu.dma_semaphore, #tpu.memory_space<semaphore_mem>>
        %dma_start3A_332 = tpu.memref_squeeze %dma_start3A_331 : memref<1x!tpu.dma_semaphore, #tpu.memory_space<semaphore_mem>> -> memref<!tpu.dma_semaphore, #tpu.memory_space<semaphore_mem>>
        tpu.enqueue_indirect_dma source(%dma_start3A_330 : memref<10000x128xf32, #tpu.memory_space<hbm>>) target(%arg13 : memref<40x128xf32, #tpu.memory_space<vmem>>) offsets(%dma_start3A_327 : memref<40xi32, #tpu.memory_space<vmem>>) semaphore(%dma_start3A_332 : memref<!tpu.dma_semaphore, #tpu.memory_space<semaphore_mem>>)
      } else {
      }
    }
    %scan3A_115 = arith.constant 50 : i32
    %barrier3A_116 = arith.constant 0 : index
    tpu.barrier barrier_id(%barrier3A_116)
    %lt3A_117 = arith.constant 15 : i32
    %lt3A_118 = arith.cmpi slt, %arg1, %lt3A_117 : i32
    %convert_element_type3A_119 = arith.extui %lt3A_118 : i1 to i32
    %cond3A_120 = arith.constant 0 : i32
    %cond3A_121 = arith.cmpi ne, %convert_element_type3A_119, %cond3A_120 : i32
    scf.if %cond3A_121 {
      "tpu.region"() ({
        %run_scoped3A = tpu.sem_alloc : memref<!tpu.dma_semaphore, #tpu.memory_space<semaphore_mem>>
        %dma_start3A_127 = arith.constant 0 : i32
        %dma_start3A_128 = tpu.memref_slice %arg6[%arg0, %mul3A_2, %dma_start3A_127] : memref<2x10000x128xf32, #tpu.memory_space<hbm>> -> memref<1x624x128xf32, #tpu.memory_space<hbm>>
        %dma_start3A_129 = tpu.memref_squeeze %dma_start3A_128 : memref<1x624x128xf32, #tpu.memory_space<hbm>> -> memref<624x128xf32, #tpu.memory_space<hbm>>
        %dma_start3A_130 = arith.constant 0 : i32
        %dma_start3A_131 = tpu.memref_slice %arg14[%mul3A_2, %dma_start3A_130] : memref<10008x128xf32, #tpu.memory_space<vmem_shared>> -> memref<624x128xf32, #tpu.memory_space<vmem_shared>>
        tpu.enqueue_dma source(%dma_start3A_131 : memref<624x128xf32, #tpu.memory_space<vmem_shared>>) target(%dma_start3A_129 : memref<624x128xf32, #tpu.memory_space<hbm>>) target_semaphore(%run_scoped3A : memref<!tpu.dma_semaphore, #tpu.memory_space<semaphore_mem>>)
        %dma_wait3A_132 = arith.constant 0 : i32
        %dma_wait3A_133 = tpu.memref_slice %arg6[%arg0, %mul3A_2, %dma_wait3A_132] : memref<2x10000x128xf32, #tpu.memory_space<hbm>> -> memref<1x624x128xf32, #tpu.memory_space<hbm>>
        %dma_wait3A_134 = tpu.memref_squeeze %dma_wait3A_133 : memref<1x624x128xf32, #tpu.memory_space<hbm>> -> memref<624x128xf32, #tpu.memory_space<hbm>>
        %dma_wait3A_135 = arith.constant 0 : i32
        %dma_wait3A_136 = tpu.memref_slice %arg14[%mul3A_2, %dma_wait3A_135] : memref<10008x128xf32, #tpu.memory_space<vmem_shared>> -> memref<624x128xf32, #tpu.memory_space<vmem_shared>>
        tpu.wait_dma2 semaphore(%run_scoped3A : memref<!tpu.dma_semaphore, #tpu.memory_space<semaphore_mem>>) src(%dma_wait3A_136 : memref<624x128xf32, #tpu.memory_space<vmem_shared>>) dst(%dma_wait3A_134 : memref<624x128xf32, #tpu.memory_space<hbm>>)
        tpu.yield
      }) : () -> ()
    } else {
    }
    %eq3A_122 = arith.constant 15 : i32
    %eq3A_123 = arith.cmpi eq, %arg1, %eq3A_122 : i32
    %convert_element_type3A_124 = arith.extui %eq3A_123 : i1 to i32
    %cond3A_125 = arith.constant 0 : i32
    %cond3A_126 = arith.cmpi ne, %convert_element_type3A_124, %cond3A_125 : i32
    scf.if %cond3A_126 {
      "tpu.region"() ({
        %run_scoped3A = tpu.sem_alloc : memref<!tpu.dma_semaphore, #tpu.memory_space<semaphore_mem>>
        %dma_start3A_127 = arith.constant 0 : i32
        %dma_start3A_128 = tpu.memref_slice %arg6[%arg0, %mul3A_2, %dma_start3A_127] : memref<2x10000x128xf32, #tpu.memory_space<hbm>> -> memref<1x640x128xf32, #tpu.memory_space<hbm>>
        %dma_start3A_129 = tpu.memref_squeeze %dma_start3A_128 : memref<1x640x128xf32, #tpu.memory_space<hbm>> -> memref<640x128xf32, #tpu.memory_space<hbm>>
        %dma_start3A_130 = arith.constant 0 : i32
        %dma_start3A_131 = tpu.memref_slice %arg14[%mul3A_2, %dma_start3A_130] : memref<10008x128xf32, #tpu.memory_space<vmem_shared>> -> memref<640x128xf32, #tpu.memory_space<vmem_shared>>
        tpu.enqueue_dma source(%dma_start3A_131 : memref<640x128xf32, #tpu.memory_space<vmem_shared>>) target(%dma_start3A_129 : memref<640x128xf32, #tpu.memory_space<hbm>>) target_semaphore(%run_scoped3A : memref<!tpu.dma_semaphore, #tpu.memory_space<semaphore_mem>>)
        %dma_wait3A_132 = arith.constant 0 : i32
        %dma_wait3A_133 = tpu.memref_slice %arg6[%arg0, %mul3A_2, %dma_wait3A_132] : memref<2x10000x128xf32, #tpu.memory_space<hbm>> -> memref<1x640x128xf32, #tpu.memory_space<hbm>>
        %dma_wait3A_134 = tpu.memref_squeeze %dma_wait3A_133 : memref<1x640x128xf32, #tpu.memory_space<hbm>> -> memref<640x128xf32, #tpu.memory_space<hbm>>
        %dma_wait3A_135 = arith.constant 0 : i32
        %dma_wait3A_136 = tpu.memref_slice %arg14[%mul3A_2, %dma_wait3A_135] : memref<10008x128xf32, #tpu.memory_space<vmem_shared>> -> memref<640x128xf32, #tpu.memory_space<vmem_shared>>
        tpu.wait_dma2 semaphore(%run_scoped3A : memref<!tpu.dma_semaphore, #tpu.memory_space<semaphore_mem>>) src(%dma_wait3A_136 : memref<640x128xf32, #tpu.memory_space<vmem_shared>>) dst(%dma_wait3A_134 : memref<640x128xf32, #tpu.memory_space<hbm>>)
        tpu.yield
      }) : () -> ()
    } else {
    }
    return
  }
}

module attributes {stable_mosaic.version = 14 : i64} {
  func.func @_mid_body(%arg0: memref<2x10000x128xf32, #tpu.memory_space<vmem>>, %arg1: memref<1x128xf32, #tpu.memory_space<vmem>>, %arg2: memref<128x128xf32, #tpu.memory_space<vmem>>, %arg3: memref<128x16xf32, #tpu.memory_space<vmem>>, %arg4: memref<10000x16xf32, #tpu.memory_space<vmem>>) attributes {dimension_semantics = [], scalar_prefetch = 0 : i64, scratch_operands = 0 : i64, tpu.core_type = #tpu.core_type<tc>} {
    %get3A = arith.constant 0 : index
    %get3A_0 = arith.constant 0 : index
    %get3A_1 = arith.constant 0 : index
    %get3A_2 = vector.load %arg0[%get3A, %get3A_0, %get3A_1] : memref<2x10000x128xf32, #tpu.memory_space<vmem>>, vector<1x10000x128xf32>
    %get3A_3 = vector.shape_cast %get3A_2 : vector<1x10000x128xf32> to vector<10000x128xf32>
    %get3A_4 = arith.constant 1 : index
    %get3A_5 = arith.constant 0 : index
    %get3A_6 = arith.constant 0 : index
    %get3A_7 = vector.load %arg0[%get3A_4, %get3A_5, %get3A_6] : memref<2x10000x128xf32, #tpu.memory_space<vmem>>, vector<1x10000x128xf32>
    %get3A_8 = vector.shape_cast %get3A_7 : vector<1x10000x128xf32> to vector<10000x128xf32>
    %add3A = arith.addf %get3A_3, %get3A_8 : vector<10000x128xf32>
    %get3A_9 = arith.constant 0 : index
    %get3A_10 = arith.constant 0 : index
    %get3A_11 = vector.load %arg2[%get3A_9, %get3A_10] : memref<128x128xf32, #tpu.memory_space<vmem>>, vector<128x128xf32>
    %dot_general3A = arith.constant dense<0.000000e+00> : vector<10000x128xf32>
    %dot_general3A_12 = tpu.matmul %add3A, %get3A_11, %dot_general3A {dimension_numbers = #tpu.dot_dimension_numbers<[1], [0], [0], [1], [0, 0, 1, 1], [], []>, transpose_lhs_hint = false} : vector<10000x128xf32>, vector<128x128xf32>, vector<10000x128xf32> -> vector<10000x128xf32>
    %get3A_13 = arith.constant 0 : index
    %get3A_14 = arith.constant 0 : index
    %get3A_15 = vector.load %arg1[%get3A_13, %get3A_14] : memref<1x128xf32, #tpu.memory_space<vmem>>, vector<1x128xf32>
    %add3A_16 = vector.broadcast %get3A_15 : vector<1x128xf32> to vector<10000x128xf32>
    %add3A_17 = arith.addf %dot_general3A_12, %add3A_16 : vector<10000x128xf32>
    %max3A = arith.constant 0.000000e+00 : f32
    %max3A_18 = vector.broadcast %max3A : f32 to vector<10000x128xf32>
    %max3A_19 = arith.maximumf %add3A_17, %max3A_18 : vector<10000x128xf32>
    %get3A_20 = arith.constant 0 : index
    %get3A_21 = arith.constant 0 : index
    %get3A_22 = vector.load %arg3[%get3A_20, %get3A_21] : memref<128x16xf32, #tpu.memory_space<vmem>>, vector<128x16xf32>
    %dot_general3A_23 = arith.constant dense<0.000000e+00> : vector<10000x16xf32>
    %dot_general3A_24 = tpu.matmul %max3A_19, %get3A_22, %dot_general3A_23 {dimension_numbers = #tpu.dot_dimension_numbers<[1], [0], [0], [1], [0, 0, 1, 1], [], []>, transpose_lhs_hint = false} : vector<10000x128xf32>, vector<128x16xf32>, vector<10000x16xf32> -> vector<10000x16xf32>
    %swap3A = arith.constant 0 : index
    %swap3A_25 = arith.constant 0 : index
    %swap3A_26 = vector.load %arg4[%swap3A, %swap3A_25] : memref<10000x16xf32, #tpu.memory_space<vmem>>, vector<10000x16xf32>
    tpu.vector_store %arg4[%swap3A, %swap3A_25], %dot_general3A_24 {strides = array<i32>} : memref<10000x16xf32, #tpu.memory_space<vmem>>, vector<10000x16xf32>,
    return
  }
}

module attributes {stable_mosaic.version = 14 : i64} {
  func.func @_fin_body(%arg0: memref<2x1250x128xf32, #tpu.memory_space<vmem>>, %arg1: memref<1x128xf32, #tpu.memory_space<vmem>>, %arg2: memref<1250x128xf32, #tpu.memory_space<vmem>>) attributes {dimension_semantics = [], scalar_prefetch = 0 : i64, scratch_operands = 0 : i64, tpu.core_type = #tpu.core_type<tc>} {
    %get3A = arith.constant 0 : index
    %get3A_0 = arith.constant 0 : index
    %get3A_1 = arith.constant 0 : index
    %get3A_2 = vector.load %arg0[%get3A, %get3A_0, %get3A_1] : memref<2x1250x128xf32, #tpu.memory_space<vmem>>, vector<1x1250x128xf32>
    %get3A_3 = vector.shape_cast %get3A_2 : vector<1x1250x128xf32> to vector<1250x128xf32>
    %get3A_4 = arith.constant 1 : index
    %get3A_5 = arith.constant 0 : index
    %get3A_6 = arith.constant 0 : index
    %get3A_7 = vector.load %arg0[%get3A_4, %get3A_5, %get3A_6] : memref<2x1250x128xf32, #tpu.memory_space<vmem>>, vector<1x1250x128xf32>
    %get3A_8 = vector.shape_cast %get3A_7 : vector<1x1250x128xf32> to vector<1250x128xf32>
    %add3A = arith.addf %get3A_3, %get3A_8 : vector<1250x128xf32>
    %get3A_9 = arith.constant 0 : index
    %get3A_10 = arith.constant 0 : index
    %get3A_11 = vector.load %arg1[%get3A_9, %get3A_10] : memref<1x128xf32, #tpu.memory_space<vmem>>, vector<1x128xf32>
    %add3A_12 = vector.broadcast %get3A_11 : vector<1x128xf32> to vector<1250x128xf32>
    %add3A_13 = arith.addf %add3A, %add3A_12 : vector<1250x128xf32>
    %swap3A = arith.constant 0 : index
    %swap3A_14 = arith.constant 0 : index
    %swap3A_15 = vector.load %arg2[%swap3A, %swap3A_14] : memref<1250x128xf32, #tpu.memory_space<vmem>>, vector<1250x128xf32>
    tpu.vector_store %arg2[%swap3A, %swap3A_14], %add3A_13 {strides = array<i32>} : memref<1250x128xf32, #tpu.memory_space<vmem>>, vector<1250x128xf32>,
    return
  }
}

</mosaic_0001>

<sc_bundles>
// kernel: kernel.6.cloned.1.call-start
scs
__scs_entry_jumppad:
0x0: {  	(pc) =	sbr.rel $0x88, $3  }
0x1: {  	(tag) =	ssettag $0x0;
	lr =	simm.s32 $0x1  }
0x2: {  	[smem:$0x3F9B] =	sst lr;
	_ =	strace $0xD0000000  }
0x3: {  	_ = 	snop  }
0x4: {  	_ = 	snop  }
0x5: {  	_ = 	snop  }
0x6: {  	_ = 	snop  }
0x7: {  	_ = 	snop  }
__scs_overlays_trampoline_lowered:
0x8: {  	[smem:$0x3FAA] =	sst s0  }
0x9: {  	[smem:$0x3FAB] =	sst s1  }
0xa: {  	[smem:$0x3FAC] =	sst s2  }
0xb: {  	[smem:$0x3FAD] =	sst s3  }
0xc: {  	[smem:$0x3FAE] =	sst s4  }
0xd: {  	[smem:$0x3FAF] =	sst s5  }
0xe: {  	[smem:$0x3FB0] =	sst s6  }
0xf: {  	[smem:$0x3FB1] =	sst s7  }
0x10: {  	[smem:$0x3FB2] =	sst s8  }
0x11: {  	[smem:$0x3FB3] =	sst s9;
	s0 =	simm.s32 @!p0 $0x0  }
0x12: {  	s1 =	sld [smem:$0x3F99];
	s0 =	simm.s32 @p0 $0x1  }
0x13: {  	[smem:$0x3FB4] =	sst s0;
	s0 =	simm.s32 @!p1 $0x0  }
0x14: {  	s2 =	sld [smem:$0x3F98];
	s0 =	simm.s32 @p1 $0x1  }
0x15: {  	[smem:$0x3FB5] =	sst s0;
	s0 =	simm.s32 @!p2 $0x0  }
0x16: {  	s3 =	sld [smem:$0x3FDB];
	s0 =	simm.s32 @p2 $0x1  }
0x17: {  	s4 =	simm.s32 $0x1BF5;
	[smem:$0x3FB7] =	sst s0  }
0x18: {  	s0 =	sld [smem:$0x3F9A];
	_ =	swait.ge [sflag:s4], $0x0  }
0x19: {  	s7 =	sld [smem:$0x3F9B]  }
0x1a: {  	s8 =	sadd.s32 $0xFFFFE003, lr  }
0x1b: {  	s9 =	sadd.s32 $0xFFFFFEF7, lr;
	s5 =	simm.s32 $0xFFFFFFFF;
	p2 =	slt.u32 s8, $0xFFFFF086  }
0x1c: {  	p1 =	slt.u32 s9, $0xF7A;
	s5 =	simm.s32 @!p2 $0x0  }
0x1d: {  	s5 =	simm.s32 @p1 $0x1;
	p0 =	seq.s32 s7, s2  }
0x1e: {  	s7 =	smul.u32 @!p0 $0xF7A, s2;
	p2 =	seq.s32 @!p0 s5, $0x0  }
0x1f: {  	s9 =	smul.u32 $0xF7A, s1;
	s8 =	simm.s32 @!p0 $0x1BF5;
	p2 =	por !p2, p0  }
0x20: {  	[sflag:s8] =	ssyncset.s32 @!p0 $0xFFFFF086;
	s6 =	sadd.s32 @!p0 s3, s7;
	s7 =	simm.s32 @!p0 $0x108  }
0x21: {  	s3 =	sadd.s32 s3, s9;
	s6 =	sadd.s32 @!p0 $0x88, s6;
	s7 =	simm.s32 @p2 $0x1082  }
0x22: {  	[simem:s7], [sflag:s8] =	dma.local @!p0 [hbm:s6], $0xF7A  }
0x23: {  	s9 =	sor.u32 $0xD0000000, s2;
	s6 =	simm.s32 $0x108;
	_ =	swait.ge @!p0 [sflag:s8], $0x0  }
0x24: {  	s3 =	sadd.s32 $0x88, s3;
	s6 =	simm.s32 @!p1 $0x1082;
	[sflag:s4] =	ssyncset.s32 $0xFFFFF086  }
0x25: {  	[simem:s6], [sflag:s4] =	dma.local [hbm:s3], $0xF7A  }
0x26: {  	[smem:$0x3F9B] =	sst s1;
	(tag) =	ssettag s2;
	_ =	strace s9  }
0x27: {  	s1 =	sld [smem:$0x3FAB]  }
0x28: {  	s2 =	sld [smem:$0x3FAC]  }
0x29: {  	s4 =	sld [smem:$0x3FAE]  }
0x2a: {  	p0 =	seq.s32 s5, $0x0;
	s5 =	sld [smem:$0x3FAF]  }
0x2b: {  	s6 =	sld [smem:$0x3FB0]  }
0x2c: {  	s7 =	sld [smem:$0x3FB1]  }
0x2d: {  	s3 =	simm.s32 $0x108;
	s8 =	sld [smem:$0x3FB2]  }
0x2e: {  	s3 =	simm.s32 @!p0 $0x1082;
	s9 =	sld [smem:$0x3FB3]  }
0x2f: {  	lr =	sadd.s32 s0, s3;
	s0 =	sld [smem:$0x3FAA]  }
0x30: {  	s3 =	sld [smem:$0x3FAD]  }
0x31: {  	[smem:$0x3FB6] =	sst s10  }
0x32: {  	s10 =	sld [smem:$0x3FB4];
	_ =	sdelay $0x3  }
0x33: {  	p0 =	seq.s32 s10, $0x1;
	s10 =	sld [smem:$0x3FB6];
	_ =	sdelay $0x3  }
0x34: {  	[smem:$0x3FB6] =	sst s10  }
0x35: {  	s10 =	sld [smem:$0x3FB5];
	_ =	sdelay $0x3  }
0x36: {  	p1 =	seq.s32 s10, $0x1;
	s10 =	sld [smem:$0x3FB6];
	_ =	sdelay $0x3  }
0x37: {  	[smem:$0x3FB6] =	sst s10  }
0x38: {  	s10 =	sld [smem:$0x3FB7]  }
0x39: {  	_ = 	snop;
	(pc) =	sbr.ind lr, $3  }
0x3a: {  	_ = 	snop  }
0x3b: {  	_ = 	snop  }
0x3c: {  	p2 =	seq.s32 s10, $0x1;
	s10 =	sld [smem:$0x3FB6]  }
0x3d: {  	_ =	shalt  }
0x3e: {  	_ =	shalt  }
0x3f: {  	_ =	shalt  }
0x40: {  	_ =	shalt  }
0x41: {  	_ =	shalt  }
0x42: {  	_ =	shalt  }
0x43: {  	_ =	shalt  }
0x44: {  	_ =	shalt  }
0x45: {  	_ =	shalt  }
0x46: {  	_ =	shalt  }
0x47: {  	_ =	shalt  }
0x48: {  	_ =	shalt  }
0x49: {  	_ =	shalt  }
0x4a: {  	_ =	shalt  }
0x4b: {  	_ =	shalt  }
0x4c: {  	_ =	shalt  }
0x4d: {  	_ =	shalt  }
0x4e: {  	_ =	shalt  }
0x4f: {  	_ =	shalt  }
0x50: {  	_ =	shalt  }
0x51: {  	_ =	shalt  }
0x52: {  	_ =	shalt  }
0x53: {  	_ =	shalt  }
0x54: {  	_ =	shalt  }
0x55: {  	_ =	shalt  }
0x56: {  	_ =	shalt  }
0x57: {  	_ =	shalt  }
0x58: {  	_ =	shalt  }
0x59: {  	_ =	shalt  }
0x5a: {  	_ =	shalt  }
0x5b: {  	_ =	shalt  }
0x5c: {  	_ =	shalt  }
0x5d: {  	_ =	shalt  }
0x5e: {  	_ =	shalt  }
0x5f: {  	_ =	shalt  }
0x60: {  	_ =	shalt  }
0x61: {  	_ =	shalt  }
0x62: {  	_ =	shalt  }
0x63: {  	_ =	shalt  }
0x64: {  	_ =	shalt  }
0x65: {  	_ =	shalt  }
0x66: {  	_ =	shalt  }
0x67: {  	_ =	shalt  }
0x68: {  	_ =	shalt  }
0x69: {  	_ =	shalt  }
0x6a: {  	_ =	shalt  }
0x6b: {  	_ =	shalt  }
0x6c: {  	_ =	shalt  }
0x6d: {  	_ =	shalt  }
0x6e: {  	_ =	shalt  }
0x6f: {  	_ =	shalt  }
0x70: {  	_ =	shalt  }
0x71: {  	_ =	shalt  }
0x72: {  	_ =	shalt  }
0x73: {  	_ =	shalt  }
0x74: {  	_ =	shalt  }
0x75: {  	_ =	shalt  }
0x76: {  	_ =	shalt  }
0x77: {  	_ =	shalt  }
0x78: {  	_ =	shalt  }
0x79: {  	_ =	shalt  }
0x7a: {  	_ =	shalt  }
0x7b: {  	_ =	shalt  }
0x7c: {  	_ =	shalt  }
0x7d: {  	_ =	shalt  }
0x7e: {  	_ =	shalt  }
0x7f: {  	_ =	shalt  }
0x80: {  	_ =	shalt  }
0x81: {  	_ =	shalt  }
0x82: {  	_ =	shalt  }
0x83: {  	_ =	shalt  }
0x84: {  	_ =	shalt  }
0x85: {  	_ =	shalt  }
0x86: {  	_ =	shalt  }
0x87: {  	_ =	shalt  }
.Lfunc_end0:
.L_simem_size_0:
called_computation_lowered:
.L_overlay_start_0:
0x88: {  	s2 =	sld [smem:$0x3FD9]  }
0x89: {  	s3 =	sld [smem:$0x3FFE];
	_ =	sdelay $0x1  }
0x8a: {  	s1 =	srdreg.scid  }
0x8b: {  	s0 =	sand.u32 $0x1, s1  }
0x8c: {  	s17 =	sshll.u32 s0, $0xA;
	s2 =	sadd.s32 s3, s2  }
0x8d: {  	s2 =	sadd.s32 s2, s17  }
0x8e: {  	[smem:$0x3FC2] =	sst s2  }
0x8f: {  	_ = 	snop  }
0x90: {  	s2 =	sld [smem:$0x3FC9];
	(tm) =	ssettm $0x1  }
0x91: {  	s18 =	sld [smem:$0x3FFB];
	_ =	sdelay $0x3  }
0x92: {  	_ =	strace s18  }
0x93: {  	s3 =	sld [smem:$0x3FFC];
	_ =	sdelay $0x3  }
0x94: {  	_ =	strace s3  }
0x95: {  	s3 =	sld [smem:$0x3FFD];
	_ =	sdelay $0x3  }
0x96: {  	_ =	strace s3  }
0x97: {  	_ =	strace $0x8FFFFFFF  }
0x98: {  	s19 =	sld [smem:$0x3FDB];
	_ =	sdelay $0x1  }
0x99: {  	s4 =	simm.s32 $_scs_section_size  }
0x9a: {  	s5 =	simm.s32 $_size__tile_overlayer_lowered;
	s6 =	simm.s32 $_tile_overlayer_lowered  }
0x9b: {  	s22 =	simm.s32 $0x1BFF;
	s21 =	sshll.u32 s6, $0x1;
	s3 =	sadd.s32 s4, s19  }
0x9c: {  	s7 =	simm.s32 $0x0;
	s20 =	sshll.u32 s5, $0x1;
	s5 =	sadd.s32 s21, s3  }
0x9d: {  	[timem:s7], [sflag:s22] =	dma.local [hbm:s5], s20  }
0x9e: {  	_ =	swait.ge [sflag:s22], s20  }
0x9f: {  	s4 =	ssub.s32 $0x0, s20;
	[sflag:s22] =	ssyncset.done $0x0  }
0xa0: {  	[sflag:s22] =	ssyncadd.s32 s4;
	_ =	sdelay $0x1  }
0xa1: {  	s23 =	simm.s32 $0x1B8B  }
0xa2: {  	_ =	swait.ge [sflag:s23], $0x1  }
0xa3: {  	[sflag:s23] =	ssyncset.done $0x0  }
0xa4: {  	s25 =	simm.s32 $0x1B8E;
	s24 =	sld [smem:$0x3FFE];
	[sflag:s23] =	ssyncadd.s32 $0xFFFFFFFF  }
0xa5: {  	s26 =	simm.s32 $execute0_lowered;
	[smem:$0x3FD2] =	sst s25  }
0xa6: {  	s5 =	sshll.u32 s26, $0x1;
	_ =	strace $0x80000046;
	[dreg:$0x1] =	wrdreg $0xFFFFFFFF  }
0xa7: {  	s28 =	simm.s32 $_size_execute0_lowered;
	s3 =	sadd.s32 s3, s5;
	[dreg:$0x0] =	wrdreg $0x0  }
0xa8: {  	s5 =	sshll.u32 s28, $0x1;
	[dreg:$0x2] =	wrdreg s3  }
0xa9: {  	[dreg:$0x3] =	wrdreg s5  }
0xaa: {  	[dreg:$0x4] =	wrdreg $0xC0  }
0xab: {  	_ =	task [dreg:s7], $0x5FFFF  }
0xac: {  	[dreg:$0x1] =	wrdreg $0xFFFFFFFF  }
0xad: {  	[dreg:$0x0] =	wrdreg $0x60  }
0xae: {  	[dreg:$0x2] =	wrdreg s2  }
0xaf: {  	[dreg:$0x3] =	wrdreg s24  }
0xb0: {  	[dreg:$0x4] =	wrdreg $0xB2200  }
0xb1: {  	[dreg:$0x5] =	wrdreg $0x9  }
0xb2: {  	_ =	task.clear_ibuf [dreg:s7], $0x6FFFF;
	_ =	strace $0x90000046  }
0xb3: {  	s29 =	simm.s32 $0x9;
	_ =	strace $0x80000048  }
0xb4: {  	_ =	swait.ge [sflag:s29], $0x1  }
0xb5: {  	[sflag:s29] =	ssyncadd.s32 $0xFFFFFFFF  }
0xb6: {  	_ =	strace $0x90000048  }
0xb7: {  	_ =	sfence  }
0xb8: {  	s30 =	sld [smem:$0x0];
	_ =	sdelay $0x2  }
0xb9: {  	s31 =	sshll.u32 s1, $0xD;
	s1 =	sshrl.u32 s1, $0x2  }
0xba: {  	s3 =	sand.u32 $0x4000, s31;
	s1 =	sadd.s32 s1, s30  }
0xbb: {  	s0 =	sor.u32 s3, s0;
	s1 =	sshll.u32 s1, $0x11  }
0xbc: {  	s0 =	sor.u32 s1, s0  }
0xbd: {  	s0 =	sadd.s32 $0x8F2B, s0  }
0xbe: {  	[sflag:s0] =	ssyncadd.remote.s32 $0x1  }
0xbf: {  	_ =	sfence.sel $0xFFFF  }
0xc0: {  	[dreg:$0x0] =	wrdreg $0xFFFFFFFF;
	(pc) =	sbr.abs _section_cstart, $3  }
0xc1: {  	[dreg:$0x1] =	wrdreg $0xFFFFFFFF  }
0xc2: {  	_ =	task.clear_ibuf [dreg:s7], $0x2FFFF;
	_ =	strace $0x9FFFFFFF  }
0xc3: {  	(tm) =	ssettm $0x7FFFFFFF  }
tec
execute0_lowered:
.L_overlay_start_1:
0x0: {  	(tag) =	ssettag $0x1  }
0x1: {  	s1 =	rddreg [dreg:$0x0]  }
0x2: {  	s0 =	srdreg.scid;
	s2 =	rddreg [dreg:$0x1]  }
0x3: {  	s11 =	stileid.u32;
	s3 =	rddreg [dreg:$0x2]  }
0x4: {  	s17 =	simm.s32 $0x1;
	s18 =	simm.s32 $0x2;
	s19 =	simm.s32 $0x28  }
0x5: {  	s20 =	simm.s32 $0x4E20;
	s21 =	simm.s32 $0x6220;
	s23 =	simm.s32 $0x7620  }
0x6: {  	s28 =	simm.s32 $0x9E20;
	s29 =	simm.s32 $0x3;
	s30 =	simm.s32 $0x4  }
0x7: {  	s31 =	simm.s32 $0x5;
	s16 =	simm.s32 $0x8;
	s22 =	simm.s32 $0x9  }
0x8: {  	s0 =	sand.u32 $0x1, s0;
	s4 =	sshll.u32 s11, $0x1;
	s6 =	smul.u32 $0x13800, s11  }
0x9: {  	s10 =	sadd.s32 $0x3B800, s2;
	s13 =	sadd.s32 $0x124800, s3;
	p0 =	seq.s32 s11, $0xF  }
0xa: {  	s5 =	sor.u32 s0, s4;
	s4 =	simm.s32 $0x0;
	s7 =	ssub.s32 $0x2, s0  }
0xb: {  	s0 =	smul.u32 $0x138800, s0;
	s11 =	sshll.u32 @!p0 s11, $0x6;
	s13 =	sshrl.u32 @p0 s13, $0x3  }
0xc: {  	s5 =	smul.u32 $0x4E2, s5;
	[smem:$0x7FF] =	sst s4;
	s8 =	sshrl.u32 s6, $0x3  }
0xd: {  	s9 =	sshrl.u32 s7, $0x1;
	s15 =	sadd.s32 s6, s3;
	s14 =	sor.u32 @!p0 $0x1C06, s11  }
0xe: {  	_ =	strace $0x80000047;
	s8 =	sadd.s32 s8, s2;
	s12 =	ssub.s32 s7, s9  }
0xf: {  	s26 =	sadd.s32 s6, s0;
	s0 =	sshrl.u32 s0, $0x3;
	s15 =	sshrl.u32 @!p0 s15, $0x3  }
0x10: {  	s5 =	sadd.s32 s5, s2;
	s24 =	sadd.s32 $0x14600, s8;
	s2 =	sadd.s32 $0x38F00, s2  }
0x11: {  	s0 =	sadd.s32 s10, s0;
	s12 =	smax.u32 s12, $0x1;
	[dreg:$0x4] =	wrdreg s24  }
0x12: {  	[dreg:$0x5] =	wrdreg s2;
	s25 =	sadd.s32 $0xA800, s5;
	s8 =	sadd.s32 $0xA00, s5  }
0x13: {  	s2 =	sshrl.u32 s26, $0x3;
	s24 =	simm.s32 $0xA;
	s26 =	simm.s32 $0x0  }
0x14: {  	[dreg:$0x6] =	wrdreg s25;
	s9 =	sadd.s32 s10, s2;
	s10 =	sadd.s32 $0x24900, s0  }
0x15: {  	s25 =	simm.s32 $0x8A20;
	s2 =	simm.s32 $0x6;
	s0 =	simm.s32 $0x7  }
.LBB2_1:
0x16: {  	s5 =	simm.s32 @p0 $0x1FC6;
	s6 =	rddreg [dreg:$0x5]  }
0x17: {  	[spmem:s13], [sflag:s5] =	dma.local @p0 [hbm:s6], $0x2800  }
0x18: {  	s5 =	rddreg [dreg:$0x4]  }
0x19: {  	[spmem:s15], [sflag:s14] =	dma.local @!p0 [hbm:s5], $0x2700  }
0x1a: {  	s5 =	rddreg [dreg:$0x6]  }
0x1b: {  	[tilespmem:s4], [sflag:$0x1] =	stream.linear.gather [hbm4b:s5+s4], $0x2710, $0x38;
	[tilespmem:$0x1EAE0] =	vst v63  }
0x1c: {  	s7 =	simm.s32 $0x2710  }
0x1d: {  	[tilespmem:s7], [sflag:$0x2] =	stream.linear.gather [hbm4b:s8+s4], $0x2710, $0x38;
	[tilespmem:$0x1EAE0] =	vst v63  }
0x1e: {  	_ =	swait.ge [sflag:s17], $0x2710  }
0x1f: {  	[sflag:s17] =	ssyncset.done $0x0  }
0x20: {  	[sflag:s17] =	ssyncadd.s32 $0xFFFFD8F0  }
0x21: {  	_ =	swait.ge [sflag:s18], $0x2710  }
0x22: {  	[sflag:s18] =	ssyncset.done $0x0  }
0x23: {  	s5 =	simm.s32 @p0 $0x6;
	[sflag:s18] =	ssyncadd.s32 $0xFFFFD8F0  }
0x24: {  	_ =	swait.ge @p0 [sflag:s5], $0x2800  }
0x25: {  	[sflag:s5] =	ssyncset.done @p0 $0x0  }
0x26: {  	[sflag:s5] =	ssyncadd.s32 @p0 $0xFFFFD800;
	s5 =	simm.s32 @!p0 $0x6  }
0x27: {  	_ =	swait.ge @!p0 [sflag:s5], $0x2700  }
0x28: {  	[sflag:s5] =	ssyncset.done @!p0 $0x0  }
0x29: {  	[sflag:s5] =	ssyncadd.s32 @!p0 $0xFFFFD900  }
0x2a: {  	[bflag:$0x0] =	sbarrier.arrive $0xFFFF  }
0x2b: {  	[tilespmem:s20], [sflag:$0x1] =	stream.indirect.gather [hbm4b:s1+s19], $0x80, s4, s19, $0xb8;
	[tilespmem:$0x1EAE0] =	vst v63  }
0x2c: {  	_ = 	snop  }
0x2d: {  	[tilespmem:s21], [sflag:$0x2] =	stream.indirect.gather [hbm4b:s1+s19], $0x80, s19, s19, $0xb8;
	[tilespmem:$0x1EAE0] =	vst v63  }
0x2e: {  	s6 =	simm.s32 $0x50  }
0x2f: {  	[tilespmem:s23], [sflag:$0x3] =	stream.indirect.gather [hbm4b:s1+s19], $0x80, s6, s19, $0xb8;
	[tilespmem:$0x1EAE0] =	vst v63  }
0x30: {  	s7 =	simm.s32 $0x78  }
0x31: {  	[tilespmem:s25], [sflag:$0x4] =	stream.indirect.gather [hbm4b:s1+s19], $0x80, s7, s19, $0xb8;
	[tilespmem:$0x1EAE0] =	vst v63  }
0x32: {  	s6 =	simm.s32 $0xA0  }
0x33: {  	[tilespmem:s28], [sflag:$0x5] =	stream.indirect.gather [hbm4b:s1+s19], $0x80, s6, s19, $0xb8;
	[tilespmem:$0x1EAE0] =	vst v63  }
0x34: {  	_ =	swait.ge [sflag:s17], $0x1400  }
0x35: {  	[sflag:s17] =	ssyncset.done $0x0  }
0x36: {  	s7 =	simm.s32 $0x2710;
	[sflag:s17] =	ssyncadd.s32 $0xFFFFEC00  }
0x37: {  	[spmem:s3] =	stream.indirect.scatter.add.f32 [tilespmem:s20], [sflag:$0x6], $0x80, s7, s19, $0xb8;
	[tilespmem:$0x1EAE0] =	vst v63  }
0x38: {  	_ =	swait.ge [sflag:s18], $0x1400  }
0x39: {  	[sflag:s18] =	ssyncset.done $0x0  }
0x3a: {  	s6 =	simm.s32 $0x2738;
	[sflag:s18] =	ssyncadd.s32 $0xFFFFEC00  }
0x3b: {  	[spmem:s3] =	stream.indirect.scatter.add.f32 [tilespmem:s21], [sflag:$0x7], $0x80, s6, s19, $0xb8;
	[tilespmem:$0x1EAE0] =	vst v63  }
0x3c: {  	_ =	swait.ge [sflag:s29], $0x1400  }
0x3d: {  	[sflag:s29] =	ssyncset.done $0x0  }
0x3e: {  	s7 =	simm.s32 $0x2760;
	[sflag:s29] =	ssyncadd.s32 $0xFFFFEC00  }
0x3f: {  	[spmem:s3] =	stream.indirect.scatter.add.f32 [tilespmem:s23], [sflag:$0x8], $0x80, s7, s19, $0xb8;
	[tilespmem:$0x1EAE0] =	vst v63  }
0x40: {  	_ =	swait.ge [sflag:s30], $0x1400  }
0x41: {  	[sflag:s30] =	ssyncset.done $0x0  }
0x42: {  	s6 =	simm.s32 $0x2788;
	[sflag:s30] =	ssyncadd.s32 $0xFFFFEC00  }
0x43: {  	[spmem:s3] =	stream.indirect.scatter.add.f32 [tilespmem:s25], [sflag:$0x9], $0x80, s6, s19, $0xb8;
	[tilespmem:$0x1EAE0] =	vst v63  }
0x44: {  	_ =	swait.ge [sflag:s31], $0x1400  }
0x45: {  	[sflag:s31] =	ssyncset.done $0x0  }
0x46: {  	s7 =	simm.s32 $0x27B0;
	[sflag:s31] =	ssyncadd.s32 $0xFFFFEC00  }
0x47: {  	[spmem:s3] =	stream.indirect.scatter.add.f32 [tilespmem:s28], [sflag:$0xA], $0x80, s7, s19, $0xb8;
	[tilespmem:$0x1EAE0] =	vst v63  }
0x48: {  	_ =	swait.ge [sflag:s2], $0x1400  }
0x49: {  	[sflag:s2] =	ssyncset.done $0x0  }
0x4a: {  	s6 =	simm.s32 $0xC8;
	[sflag:s2] =	ssyncadd.s32 $0xFFFFEC00  }
0x4b: {  	[tilespmem:s20], [sflag:$0x1] =	stream.indirect.gather [hbm4b:s1+s19], $0x80, s6, s19, $0xb8;
	[tilespmem:$0x1EAE0] =	vst v63  }
0x4c: {  	_ =	swait.ge [sflag:s0], $0x1400  }
0x4d: {  	[sflag:s0] =	ssyncset.done $0x0  }
0x4e: {  	s7 =	simm.s32 $0xF0;
	[sflag:s0] =	ssyncadd.s32 $0xFFFFEC00  }
0x4f: {  	[tilespmem:s21], [sflag:$0x2] =	stream.indirect.gather [hbm4b:s1+s19], $0x80, s7, s19, $0xb8;
	[tilespmem:$0x1EAE0] =	vst v63  }
0x50: {  	_ =	swait.ge [sflag:s16], $0x1400  }
0x51: {  	[sflag:s16] =	ssyncset.done $0x0  }
0x52: {  	s6 =	simm.s32 $0x118;
	[sflag:s16] =	ssyncadd.s32 $0xFFFFEC00  }
0x53: {  	[tilespmem:s23], [sflag:$0x3] =	stream.indirect.gather [hbm4b:s1+s19], $0x80, s6, s19, $0xb8;
	[tilespmem:$0x1EAE0] =	vst v63  }
0x54: {  	_ =	swait.ge [sflag:s22], $0x1400  }
0x55: {  	[sflag:s22] =	ssyncset.done $0x0  }
0x56: {  	s7 =	simm.s32 $0x140;
	[sflag:s22] =	ssyncadd.s32 $0xFFFFEC00  }
0x57: {  	[tilespmem:s25], [sflag:$0x4] =	stream.indirect.gather [hbm4b:s1+s19], $0x80, s7, s19, $0xb8;
	[tilespmem:$0x1EAE0] =	vst v63  }
0x58: {  	_ =	swait.ge [sflag:s24], $0x1400  }
0x59: {  	[sflag:s24] =	ssyncset.done $0x0  }
0x5a: {  	s5 =	simm.s32 $0x320;
	s6 =	simm.s32 $0x168;
	[sflag:s24] =	ssyncadd.s32 $0xFFFFEC00  }
.LBB2_2:
0x5b: {  	[tilespmem:s28], [sflag:$0x5] =	stream.indirect.gather [hbm4b:s1+s19], $0x80, s6, s19, $0xb8;
	[tilespmem:$0x1EAE0] =	vst v63  }
0x5c: {  	s6 =	smov.u32 s5  }
0x5d: {  	p1 =	sne.s32 s5, $0x9600;
	s5 =	sadd.s32 $0x320, s5;
	_ =	swait.ge [sflag:s17], $0x1400  }
0x5e: {  	s6 =	sshra.s32 s6, $0x2;
	[sflag:s17] =	ssyncset.done $0x0  }
0x5f: {  	s7 =	sadd.s32 $0x2710, s6;
	[sflag:s17] =	ssyncadd.s32 $0xFFFFEC00  }
0x60: {  	[spmem:s3] =	stream.indirect.scatter.add.f32 [tilespmem:s20], [sflag:$0x6], $0x80, s7, s19, $0xb8;
	[tilespmem:$0x1EAE0] =	vst v63  }
0x61: {  	_ =	swait.ge [sflag:s18], $0x1400  }
0x62: {  	[sflag:s18] =	ssyncset.done $0x0  }
0x63: {  	s7 =	sadd.s32 $0x2738, s6;
	[sflag:s18] =	ssyncadd.s32 $0xFFFFEC00  }
0x64: {  	[spmem:s3] =	stream.indirect.scatter.add.f32 [tilespmem:s21], [sflag:$0x7], $0x80, s7, s19, $0xb8;
	[tilespmem:$0x1EAE0] =	vst v63  }
0x65: {  	_ =	swait.ge [sflag:s29], $0x1400  }
0x66: {  	[sflag:s29] =	ssyncset.done $0x0  }
0x67: {  	s7 =	sadd.s32 $0x2760, s6;
	[sflag:s29] =	ssyncadd.s32 $0xFFFFEC00  }
0x68: {  	[spmem:s3] =	stream.indirect.scatter.add.f32 [tilespmem:s23], [sflag:$0x8], $0x80, s7, s19, $0xb8;
	[tilespmem:$0x1EAE0] =	vst v63  }
0x69: {  	_ =	swait.ge [sflag:s30], $0x1400  }
0x6a: {  	[sflag:s30] =	ssyncset.done $0x0  }
0x6b: {  	s7 =	sadd.s32 $0x2788, s6;
	[sflag:s30] =	ssyncadd.s32 $0xFFFFEC00  }
0x6c: {  	[spmem:s3] =	stream.indirect.scatter.add.f32 [tilespmem:s25], [sflag:$0x9], $0x80, s7, s19, $0xb8;
	[tilespmem:$0x1EAE0] =	vst v63  }
0x6d: {  	_ =	swait.ge [sflag:s31], $0x1400  }
0x6e: {  	[sflag:s31] =	ssyncset.done $0x0  }
0x6f: {  	s7 =	sadd.s32 $0x27B0, s6;
	[sflag:s31] =	ssyncadd.s32 $0xFFFFEC00  }
0x70: {  	[spmem:s3] =	stream.indirect.scatter.add.f32 [tilespmem:s28], [sflag:$0xA], $0x80, s7, s19, $0xb8;
	[tilespmem:$0x1EAE0] =	vst v63  }
0x71: {  	_ =	swait.ge [sflag:s2], $0x1400  }
0x72: {  	[sflag:s2] =	ssyncset.done $0x0  }
0x73: {  	s7 =	sadd.s32 $0xC8, s6;
	[sflag:s2] =	ssyncadd.s32 $0xFFFFEC00  }
0x74: {  	[tilespmem:s20], [sflag:$0x1] =	stream.indirect.gather [hbm4b:s1+s19], $0x80, s7, s19, $0xb8;
	[tilespmem:$0x1EAE0] =	vst v63  }
0x75: {  	_ =	swait.ge [sflag:s0], $0x1400  }
0x76: {  	[sflag:s0] =	ssyncset.done $0x0  }
0x77: {  	s7 =	sadd.s32 $0xF0, s6;
	[sflag:s0] =	ssyncadd.s32 $0xFFFFEC00  }
0x78: {  	[tilespmem:s21], [sflag:$0x2] =	stream.indirect.gather [hbm4b:s1+s19], $0x80, s7, s19, $0xb8;
	[tilespmem:$0x1EAE0] =	vst v63  }
0x79: {  	_ =	swait.ge [sflag:s16], $0x1400  }
0x7a: {  	[sflag:s16] =	ssyncset.done $0x0  }
0x7b: {  	s7 =	sadd.s32 $0x118, s6;
	[sflag:s16] =	ssyncadd.s32 $0xFFFFEC00  }
0x7c: {  	[tilespmem:s23], [sflag:$0x3] =	stream.indirect.gather [hbm4b:s1+s19], $0x80, s7, s19, $0xb8;
	[tilespmem:$0x1EAE0] =	vst v63  }
0x7d: {  	_ =	swait.ge [sflag:s22], $0x1400  }
0x7e: {  	[sflag:s22] =	ssyncset.done $0x0  }
.Ltmp0:
0x7f: {  	s7 =	sadd.s32 $0x140, s6;
	[sflag:s22] =	ssyncadd.s32 $0xFFFFEC00;
	(pc) =	sbr.rel @p1 .LBB2_2-.Ltmp0, $4  }
0x80: {  	[tilespmem:s25], [sflag:$0x4] =	stream.indirect.gather [hbm4b:s1+s19], $0x80, s7, s19, $0xb8;
	[tilespmem:$0x1EAE0] =	vst v63  }
0x81: {  	_ =	swait.ge [sflag:s24], $0x1400  }
0x82: {  	[sflag:s24] =	ssyncset.done $0x0  }
0x83: {  	s6 =	sadd.s32 $0x168, s6;
	[sflag:s24] =	ssyncadd.s32 $0xFFFFEC00  }
0x84: {  	[tilespmem:s28], [sflag:$0x5] =	stream.indirect.gather [hbm4b:s1+s19], $0x80, s6, s19, $0xb8;
	[tilespmem:$0x1EAE0] =	vst v63  }
0x85: {  	_ =	swait.ge [sflag:s17], $0x1400  }
0x86: {  	[sflag:s17] =	ssyncset.done $0x0  }
0x87: {  	s5 =	simm.s32 $0x4D58;
	[sflag:s17] =	ssyncadd.s32 $0xFFFFEC00  }
0x88: {  	[spmem:s3] =	stream.indirect.scatter.add.f32 [tilespmem:s20], [sflag:$0x6], $0x80, s5, s19, $0xb8;
	[tilespmem:$0x1EAE0] =	vst v63  }
0x89: {  	_ =	swait.ge [sflag:s18], $0x1400  }
0x8a: {  	[sflag:s18] =	ssyncset.done $0x0  }
0x8b: {  	s6 =	simm.s32 $0x4D80;
	[sflag:s18] =	ssyncadd.s32 $0xFFFFEC00  }
0x8c: {  	[spmem:s3] =	stream.indirect.scatter.add.f32 [tilespmem:s21], [sflag:$0x7], $0x80, s6, s19, $0xb8;
	[tilespmem:$0x1EAE0] =	vst v63  }
0x8d: {  	_ =	swait.ge [sflag:s29], $0x1400  }
0x8e: {  	[sflag:s29] =	ssyncset.done $0x0  }
0x8f: {  	s7 =	simm.s32 $0x4DA8;
	[sflag:s29] =	ssyncadd.s32 $0xFFFFEC00  }
0x90: {  	[spmem:s3] =	stream.indirect.scatter.add.f32 [tilespmem:s23], [sflag:$0x8], $0x80, s7, s19, $0xb8;
	[tilespmem:$0x1EAE0] =	vst v63  }
0x91: {  	_ =	swait.ge [sflag:s30], $0x1400  }
0x92: {  	[sflag:s30] =	ssyncset.done $0x0  }
0x93: {  	s6 =	simm.s32 $0x4DD0;
	[sflag:s30] =	ssyncadd.s32 $0xFFFFEC00  }
0x94: {  	[spmem:s3] =	stream.indirect.scatter.add.f32 [tilespmem:s25], [sflag:$0x9], $0x80, s6, s19, $0xb8;
	[tilespmem:$0x1EAE0] =	vst v63  }
0x95: {  	_ =	swait.ge [sflag:s31], $0x1400  }
0x96: {  	[sflag:s31] =	ssyncset.done $0x0  }
0x97: {  	s7 =	simm.s32 $0x4DF8;
	[sflag:s31] =	ssyncadd.s32 $0xFFFFEC00  }
0x98: {  	[spmem:s3] =	stream.indirect.scatter.add.f32 [tilespmem:s28], [sflag:$0xA], $0x80, s7, s19, $0xb8;
	[tilespmem:$0x1EAE0] =	vst v63  }
0x99: {  	_ =	swait.ge [sflag:s2], $0x1400  }
0x9a: {  	[sflag:s2] =	ssyncset.done $0x0  }
0x9b: {  	[sflag:s2] =	ssyncadd.s32 $0xFFFFEC00  }
0x9c: {  	_ =	swait.ge [sflag:s0], $0x1400  }
0x9d: {  	[sflag:s0] =	ssyncset.done $0x0  }
0x9e: {  	[sflag:s0] =	ssyncadd.s32 $0xFFFFEC00  }
0x9f: {  	_ =	swait.ge [sflag:s16], $0x1400  }
0xa0: {  	[sflag:s16] =	ssyncset.done $0x0  }
0xa1: {  	[sflag:s16] =	ssyncadd.s32 $0xFFFFEC00  }
0xa2: {  	_ =	swait.ge [sflag:s22], $0x1400  }
0xa3: {  	[sflag:s22] =	ssyncset.done $0x0  }
0xa4: {  	[sflag:s22] =	ssyncadd.s32 $0xFFFFEC00  }
0xa5: {  	_ =	swait.ge [sflag:s24], $0x1400  }
0xa6: {  	[sflag:s24] =	ssyncset.done $0x0  }
0xa7: {  	[sflag:s24] =	ssyncadd.s32 $0xFFFFEC00  }
0xa8: {  	s5 =	simm.s32 @p0 $0x1FCB;
	[bflag:$0x0] =	sbarrier.arrive $0xFFFF  }
0xa9: {  	[hbm:s10], [sflag:s5] =	dma.local @p0 [spmem:s13], $0x2800  }
0xaa: {  	s5 =	simm.s32 @p0 $0xB  }
0xab: {  	_ =	swait.ge @p0 [sflag:s5], $0x2800  }
0xac: {  	s26 =	sadd.s32 $0x1, s26;
	[sflag:s5] =	ssyncset.done @p0 $0x0  }
0xad: {  	p1 =	sne.s32 s26, s12;
	[sflag:s5] =	ssyncadd.s32 @p0 $0xFFFFD800;
	s5 =	sor.u32 @!p0 $0x1C0B, s11  }
0xae: {  	[hbm:s9], [sflag:s5] =	dma.local @!p0 [spmem:s15], $0x2700  }
.Ltmp1:
0xaf: {  	_ = 	snop;
	(pc) =	sbr.rel @p1 .LBB2_1-.Ltmp1, $4  }
0xb0: {  	s5 =	simm.s32 @!p0 $0xB  }
0xb1: {  	_ =	swait.ge @!p0 [sflag:s5], $0x2700  }
0xb2: {  	[sflag:s5] =	ssyncset.done @!p0 $0x0  }
0xb3: {  	[sflag:s5] =	ssyncadd.s32 @!p0 $0xFFFFD900  }
0xb4: {  	_ =	sfence.sel $0x180000  }
0xb5: {  	[bflag:$0x0] =	sbarrier.arrive $0xFFFF  }
0xb6: {  	_ =	strace $0x90000047  }
0xb7: {  	s0 =	stileid.u32;
	[bflag:$0x2] =	sbarrier.arrive $0xFFFF  }
0xb8: {  	p0 =	sne.s32 s0, $0x0;
	s0 =	rddreg [dreg:$0x3]  }
0xb9: {  	s0 =	sadd.s32 @!p0 $0x100000, s0  }
0xba: {  	[sflag:s0] =	ssyncadd.tile.s32 @!p0 $0x1;
	_ =	shalt  }
.Lfunc_end2:
_tile_overlayer_lowered:
.L_overlay_start_2:
0xbb: {  	(tag) =	ssettag $0x2  }
0xbc: {  	s0 =	rddreg [dreg:$0x0];
	s2 =	stileid.u32  }
0xbd: {  	s1 =	rddreg [dreg:$0x1];
	p0 =	sne.s32 s2, $0x0  }
0xbe: {  	s3 =	rddreg [dreg:$0x2];
	[bflag:$0x3] =	sbarrier.arrive $0xFFFF;
	s2 =	simm.s32 @!p0 $0x1C0B  }
0xbf: {  	[timem:s3], [sflag:s2] =	dma.local @!p0 [hbm:s0], s1  }
0xc0: {  	s0 =	simm.s32 @!p0 $0xB  }
0xc1: {  	_ =	swait.ge @!p0 [sflag:s0], s1  }
0xc2: {  	s1 =	ssub.s32 @!p0 $0x0, s1;
	[sflag:s0] =	ssyncset.done @!p0 $0x0  }
0xc3: {  	[sflag:s0] =	ssyncadd.s32 @!p0 s1  }
0xc4: {  	[bflag:$0x3] =	sbarrier.arrive $0xFFFF  }
0xc5: {  	_ =	shalt  }

// kernel: kernel.9.cloned.1.call-start
scs
__scs_entry_jumppad:
0x0: {  	(pc) =	sbr.rel $0x88, $3  }
0x1: {  	(tag) =	ssettag $0x0;
	lr =	simm.s32 $0x1  }
0x2: {  	[smem:$0x3F9B] =	sst lr;
	_ =	strace $0xD0000000  }
0x3: {  	_ = 	snop  }
0x4: {  	_ = 	snop  }
0x5: {  	_ = 	snop  }
0x6: {  	_ = 	snop  }
0x7: {  	_ = 	snop  }
__scs_overlays_trampoline_lowered:
0x8: {  	[smem:$0x3FAA] =	sst s0  }
0x9: {  	[smem:$0x3FAB] =	sst s1  }
0xa: {  	[smem:$0x3FAC] =	sst s2  }
0xb: {  	[smem:$0x3FAD] =	sst s3  }
0xc: {  	[smem:$0x3FAE] =	sst s4  }
0xd: {  	[smem:$0x3FAF] =	sst s5  }
0xe: {  	[smem:$0x3FB0] =	sst s6  }
0xf: {  	[smem:$0x3FB1] =	sst s7  }
0x10: {  	[smem:$0x3FB2] =	sst s8  }
0x11: {  	[smem:$0x3FB3] =	sst s9;
	s0 =	simm.s32 @!p0 $0x0  }
0x12: {  	s1 =	sld [smem:$0x3F99];
	s0 =	simm.s32 @p0 $0x1  }
0x13: {  	[smem:$0x3FB4] =	sst s0;
	s0 =	simm.s32 @!p1 $0x0  }
0x14: {  	s2 =	sld [smem:$0x3F98];
	s0 =	simm.s32 @p1 $0x1  }
0x15: {  	[smem:$0x3FB5] =	sst s0;
	s0 =	simm.s32 @!p2 $0x0  }
0x16: {  	s3 =	sld [smem:$0x3FDB];
	s0 =	simm.s32 @p2 $0x1  }
0x17: {  	s4 =	simm.s32 $0x1BF5;
	[smem:$0x3FB7] =	sst s0  }
0x18: {  	s0 =	sld [smem:$0x3F9A];
	_ =	swait.ge [sflag:s4], $0x0  }
0x19: {  	s7 =	sld [smem:$0x3F9B]  }
0x1a: {  	s8 =	sadd.s32 $0xFFFFE003, lr  }
0x1b: {  	s9 =	sadd.s32 $0xFFFFFEF7, lr;
	s5 =	simm.s32 $0xFFFFFFFF;
	p2 =	slt.u32 s8, $0xFFFFF086  }
0x1c: {  	p1 =	slt.u32 s9, $0xF7A;
	s5 =	simm.s32 @!p2 $0x0  }
0x1d: {  	s5 =	simm.s32 @p1 $0x1;
	p0 =	seq.s32 s7, s2  }
0x1e: {  	s7 =	smul.u32 @!p0 $0xF7A, s2;
	p2 =	seq.s32 @!p0 s5, $0x0  }
0x1f: {  	s9 =	smul.u32 $0xF7A, s1;
	s8 =	simm.s32 @!p0 $0x1BF5;
	p2 =	por !p2, p0  }
0x20: {  	[sflag:s8] =	ssyncset.s32 @!p0 $0xFFFFF086;
	s6 =	sadd.s32 @!p0 s3, s7;
	s7 =	simm.s32 @!p0 $0x108  }
0x21: {  	s3 =	sadd.s32 s3, s9;
	s6 =	sadd.s32 @!p0 $0x88, s6;
	s7 =	simm.s32 @p2 $0x1082  }
0x22: {  	[simem:s7], [sflag:s8] =	dma.local @!p0 [hbm:s6], $0xF7A  }
0x23: {  	s9 =	sor.u32 $0xD0000000, s2;
	s6 =	simm.s32 $0x108;
	_ =	swait.ge @!p0 [sflag:s8], $0x0  }
0x24: {  	s3 =	sadd.s32 $0x88, s3;
	s6 =	simm.s32 @!p1 $0x1082;
	[sflag:s4] =	ssyncset.s32 $0xFFFFF086  }
0x25: {  	[simem:s6], [sflag:s4] =	dma.local [hbm:s3], $0xF7A  }
0x26: {  	[smem:$0x3F9B] =	sst s1;
	(tag) =	ssettag s2;
	_ =	strace s9  }
0x27: {  	s1 =	sld [smem:$0x3FAB]  }
0x28: {  	s2 =	sld [smem:$0x3FAC]  }
0x29: {  	s4 =	sld [smem:$0x3FAE]  }
0x2a: {  	p0 =	seq.s32 s5, $0x0;
	s5 =	sld [smem:$0x3FAF]  }
0x2b: {  	s6 =	sld [smem:$0x3FB0]  }
0x2c: {  	s7 =	sld [smem:$0x3FB1]  }
0x2d: {  	s3 =	simm.s32 $0x108;
	s8 =	sld [smem:$0x3FB2]  }
0x2e: {  	s3 =	simm.s32 @!p0 $0x1082;
	s9 =	sld [smem:$0x3FB3]  }
0x2f: {  	lr =	sadd.s32 s0, s3;
	s0 =	sld [smem:$0x3FAA]  }
0x30: {  	s3 =	sld [smem:$0x3FAD]  }
0x31: {  	[smem:$0x3FB6] =	sst s10  }
0x32: {  	s10 =	sld [smem:$0x3FB4];
	_ =	sdelay $0x3  }
0x33: {  	p0 =	seq.s32 s10, $0x1;
	s10 =	sld [smem:$0x3FB6];
	_ =	sdelay $0x3  }
0x34: {  	[smem:$0x3FB6] =	sst s10  }
0x35: {  	s10 =	sld [smem:$0x3FB5];
	_ =	sdelay $0x3  }
0x36: {  	p1 =	seq.s32 s10, $0x1;
	s10 =	sld [smem:$0x3FB6];
	_ =	sdelay $0x3  }
0x37: {  	[smem:$0x3FB6] =	sst s10  }
0x38: {  	s10 =	sld [smem:$0x3FB7]  }
0x39: {  	_ = 	snop;
	(pc) =	sbr.ind lr, $3  }
0x3a: {  	_ = 	snop  }
0x3b: {  	_ = 	snop  }
0x3c: {  	p2 =	seq.s32 s10, $0x1;
	s10 =	sld [smem:$0x3FB6]  }
0x3d: {  	_ =	shalt  }
0x3e: {  	_ =	shalt  }
0x3f: {  	_ =	shalt  }
0x40: {  	_ =	shalt  }
0x41: {  	_ =	shalt  }
0x42: {  	_ =	shalt  }
0x43: {  	_ =	shalt  }
0x44: {  	_ =	shalt  }
0x45: {  	_ =	shalt  }
0x46: {  	_ =	shalt  }
0x47: {  	_ =	shalt  }
0x48: {  	_ =	shalt  }
0x49: {  	_ =	shalt  }
0x4a: {  	_ =	shalt  }
0x4b: {  	_ =	shalt  }
0x4c: {  	_ =	shalt  }
0x4d: {  	_ =	shalt  }
0x4e: {  	_ =	shalt  }
0x4f: {  	_ =	shalt  }
0x50: {  	_ =	shalt  }
0x51: {  	_ =	shalt  }
0x52: {  	_ =	shalt  }
0x53: {  	_ =	shalt  }
0x54: {  	_ =	shalt  }
0x55: {  	_ =	shalt  }
0x56: {  	_ =	shalt  }
0x57: {  	_ =	shalt  }
0x58: {  	_ =	shalt  }
0x59: {  	_ =	shalt  }
0x5a: {  	_ =	shalt  }
0x5b: {  	_ =	shalt  }
0x5c: {  	_ =	shalt  }
0x5d: {  	_ =	shalt  }
0x5e: {  	_ =	shalt  }
0x5f: {  	_ =	shalt  }
0x60: {  	_ =	shalt  }
0x61: {  	_ =	shalt  }
0x62: {  	_ =	shalt  }
0x63: {  	_ =	shalt  }
0x64: {  	_ =	shalt  }
0x65: {  	_ =	shalt  }
0x66: {  	_ =	shalt  }
0x67: {  	_ =	shalt  }
0x68: {  	_ =	shalt  }
0x69: {  	_ =	shalt  }
0x6a: {  	_ =	shalt  }
0x6b: {  	_ =	shalt  }
0x6c: {  	_ =	shalt  }
0x6d: {  	_ =	shalt  }
0x6e: {  	_ =	shalt  }
0x6f: {  	_ =	shalt  }
0x70: {  	_ =	shalt  }
0x71: {  	_ =	shalt  }
0x72: {  	_ =	shalt  }
0x73: {  	_ =	shalt  }
0x74: {  	_ =	shalt  }
0x75: {  	_ =	shalt  }
0x76: {  	_ =	shalt  }
0x77: {  	_ =	shalt  }
0x78: {  	_ =	shalt  }
0x79: {  	_ =	shalt  }
0x7a: {  	_ =	shalt  }
0x7b: {  	_ =	shalt  }
0x7c: {  	_ =	shalt  }
0x7d: {  	_ =	shalt  }
0x7e: {  	_ =	shalt  }
0x7f: {  	_ =	shalt  }
0x80: {  	_ =	shalt  }
0x81: {  	_ =	shalt  }
0x82: {  	_ =	shalt  }
0x83: {  	_ =	shalt  }
0x84: {  	_ =	shalt  }
0x85: {  	_ =	shalt  }
0x86: {  	_ =	shalt  }
0x87: {  	_ =	shalt  }
.Lfunc_end0:
.L_simem_size_0:
called_computation.1_lowered:
.L_overlay_start_0:
0x88: {  	s2 =	sld [smem:$0x3FD9]  }
0x89: {  	s3 =	sld [smem:$0x3FFE];
	_ =	sdelay $0x1  }
0x8a: {  	s1 =	srdreg.scid  }
0x8b: {  	s0 =	sand.u32 $0x1, s1  }
0x8c: {  	s17 =	sshll.u32 s0, $0xA;
	s2 =	sadd.s32 s3, s2  }
0x8d: {  	s2 =	sadd.s32 s2, s17  }
0x8e: {  	[smem:$0x3FC2] =	sst s2  }
0x8f: {  	_ = 	snop  }
0x90: {  	s2 =	sld [smem:$0x3FD0];
	(tm) =	ssettm $0x1  }
0x91: {  	s18 =	sld [smem:$0x3FFB];
	_ =	sdelay $0x3  }
0x92: {  	_ =	strace s18  }
0x93: {  	s3 =	sld [smem:$0x3FFC];
	_ =	sdelay $0x3  }
0x94: {  	_ =	strace s3  }
0x95: {  	s3 =	sld [smem:$0x3FFD];
	_ =	sdelay $0x3  }
0x96: {  	_ =	strace s3  }
0x97: {  	_ =	strace $0x8FFFFFFF  }
0x98: {  	s19 =	sld [smem:$0x3FDB];
	_ =	sdelay $0x1  }
0x99: {  	s4 =	simm.s32 $_scs_section_size  }
0x9a: {  	s5 =	simm.s32 $_size__tile_overlayer_lowered;
	s6 =	simm.s32 $_tile_overlayer_lowered  }
0x9b: {  	s22 =	simm.s32 $0x1BFF;
	s21 =	sshll.u32 s6, $0x1;
	s3 =	sadd.s32 s4, s19  }
0x9c: {  	s7 =	simm.s32 $0x0;
	s20 =	sshll.u32 s5, $0x1;
	s5 =	sadd.s32 s21, s3  }
0x9d: {  	[timem:s7], [sflag:s22] =	dma.local [hbm:s5], s20  }
0x9e: {  	_ =	swait.ge [sflag:s22], s20  }
0x9f: {  	s4 =	ssub.s32 $0x0, s20;
	[sflag:s22] =	ssyncset.done $0x0  }
0xa0: {  	[sflag:s22] =	ssyncadd.s32 s4;
	_ =	sdelay $0x1  }
0xa1: {  	s23 =	simm.s32 $0x1B8B  }
0xa2: {  	_ =	swait.ge [sflag:s23], $0x1  }
0xa3: {  	[sflag:s23] =	ssyncset.done $0x0  }
0xa4: {  	s25 =	simm.s32 $0x1B8E;
	s24 =	sld [smem:$0x3FFE];
	[sflag:s23] =	ssyncadd.s32 $0xFFFFFFFF  }
0xa5: {  	s26 =	simm.s32 $execute0_lowered;
	[smem:$0x3FD2] =	sst s25  }
0xa6: {  	s5 =	sshll.u32 s26, $0x1;
	_ =	strace $0x80000049;
	[dreg:$0x1] =	wrdreg $0xFFFFFFFF  }
0xa7: {  	s28 =	simm.s32 $_size_execute0_lowered;
	s3 =	sadd.s32 s3, s5;
	[dreg:$0x0] =	wrdreg $0x0  }
0xa8: {  	s5 =	sshll.u32 s28, $0x1;
	[dreg:$0x2] =	wrdreg s3  }
0xa9: {  	[dreg:$0x3] =	wrdreg s5  }
0xaa: {  	[dreg:$0x4] =	wrdreg $0xC0  }
0xab: {  	_ =	task [dreg:s7], $0x5FFFF  }
0xac: {  	[dreg:$0x1] =	wrdreg $0xFFFFFFFF  }
0xad: {  	[dreg:$0x0] =	wrdreg $0x60  }
0xae: {  	[dreg:$0x2] =	wrdreg s2  }
0xaf: {  	[dreg:$0x3] =	wrdreg s24  }
0xb0: {  	[dreg:$0x4] =	wrdreg $0x67200  }
0xb1: {  	[dreg:$0x5] =	wrdreg $0x9  }
0xb2: {  	_ =	task.clear_ibuf [dreg:s7], $0x6FFFF;
	_ =	strace $0x90000049  }
0xb3: {  	s29 =	simm.s32 $0x9;
	_ =	strace $0x8000004B  }
0xb4: {  	_ =	swait.ge [sflag:s29], $0x1  }
0xb5: {  	[sflag:s29] =	ssyncadd.s32 $0xFFFFFFFF  }
0xb6: {  	_ =	strace $0x9000004B  }
0xb7: {  	_ =	sfence  }
0xb8: {  	s30 =	sld [smem:$0x0];
	_ =	sdelay $0x2  }
0xb9: {  	s31 =	sshll.u32 s1, $0xD;
	s1 =	sshrl.u32 s1, $0x2  }
0xba: {  	s3 =	sand.u32 $0x4000, s31;
	s1 =	sadd.s32 s1, s30  }
0xbb: {  	s0 =	sor.u32 s3, s0;
	s1 =	sshll.u32 s1, $0x11  }
0xbc: {  	s0 =	sor.u32 s1, s0  }
0xbd: {  	s0 =	sadd.s32 $0x8F2B, s0  }
0xbe: {  	[sflag:s0] =	ssyncadd.remote.s32 $0x1  }
0xbf: {  	_ =	sfence.sel $0xFFFF  }
0xc0: {  	[dreg:$0x0] =	wrdreg $0xFFFFFFFF;
	(pc) =	sbr.abs _section_cstart, $3  }
0xc1: {  	[dreg:$0x1] =	wrdreg $0xFFFFFFFF  }
0xc2: {  	_ =	task.clear_ibuf [dreg:s7], $0x2FFFF;
	_ =	strace $0x9FFFFFFF  }
0xc3: {  	(tm) =	ssettm $0x7FFFFFFF  }
tec
execute0_lowered:
.L_overlay_start_1:
0x0: {  	(tag) =	ssettag $0x1  }
0x1: {  	s1 =	rddreg [dreg:$0x0]  }
0x2: {  	s0 =	srdreg.scid;
	s2 =	rddreg [dreg:$0x1]  }
0x3: {  	s11 =	stileid.u32;
	s3 =	rddreg [dreg:$0x2]  }
0x4: {  	s17 =	simm.s32 $0x1;
	s18 =	simm.s32 $0x2;
	s19 =	simm.s32 $0x50  }
0x5: {  	s20 =	simm.s32 $0x4E20;
	s21 =	simm.s32 $0x5320;
	s23 =	simm.s32 $0x5820  }
0x6: {  	s28 =	simm.s32 $0x6220;
	s29 =	simm.s32 $0x3;
	s30 =	simm.s32 $0x4  }
0x7: {  	s31 =	simm.s32 $0x5;
	s16 =	simm.s32 $0x8;
	s22 =	simm.s32 $0x9  }
0x8: {  	s0 =	sand.u32 $0x1, s0;
	s4 =	sshll.u32 s11, $0x1;
	s6 =	smul.u32 $0x2700, s11  }
0x9: {  	s10 =	sadd.s32 $0x19600, s2;
	s13 =	sadd.s32 $0x24900, s3;
	p0 =	seq.s32 s11, $0xF  }
0xa: {  	s5 =	sor.u32 s0, s4;
	s4 =	simm.s32 $0x0;
	s7 =	ssub.s32 $0x2, s0  }
0xb: {  	s0 =	smul.u32 $0x27100, s0;
	s11 =	sshll.u32 @!p0 s11, $0x6;
	s13 =	sshrl.u32 @p0 s13, $0x3  }
0xc: {  	s5 =	smul.u32 $0x4E2, s5;
	[smem:$0x7FF] =	sst s4;
	s8 =	sshrl.u32 s6, $0x3  }
0xd: {  	s9 =	sshrl.u32 s7, $0x1;
	s15 =	sadd.s32 s6, s3;
	s14 =	sor.u32 @!p0 $0x1C06, s11  }
0xe: {  	_ =	strace $0x8000004A;
	s8 =	sadd.s32 s8, s2;
	s12 =	ssub.s32 s7, s9  }
0xf: {  	s26 =	sadd.s32 s6, s0;
	s0 =	sshrl.u32 s0, $0x3;
	s15 =	sshrl.u32 @!p0 s15, $0x3  }
0x10: {  	s5 =	sadd.s32 s5, s2;
	s24 =	sadd.s32 $0x14600, s8;
	s2 =	sadd.s32 $0x18F20, s2  }
0x11: {  	s0 =	sadd.s32 s10, s0;
	s12 =	smax.u32 s12, $0x1;
	[dreg:$0x4] =	wrdreg s24  }
0x12: {  	[dreg:$0x5] =	wrdreg s2;
	s25 =	sadd.s32 $0xA800, s5;
	s8 =	sadd.s32 $0xA00, s5  }
0x13: {  	s2 =	sshrl.u32 s26, $0x3;
	s24 =	simm.s32 $0xA;
	s26 =	simm.s32 $0x0  }
0x14: {  	[dreg:$0x6] =	wrdreg s25;
	s9 =	sadd.s32 s10, s2;
	s10 =	sadd.s32 $0x4920, s0  }
0x15: {  	s25 =	simm.s32 $0x5D20;
	s2 =	simm.s32 $0x6;
	s0 =	simm.s32 $0x7  }
.LBB2_1:
0x16: {  	s5 =	simm.s32 @p0 $0x1FC6;
	s6 =	rddreg [dreg:$0x5]  }
0x17: {  	[spmem:s13], [sflag:s5] =	dma.local @p0 [hbm:s6], $0x500  }
0x18: {  	s5 =	rddreg [dreg:$0x4]  }
0x19: {  	[spmem:s15], [sflag:s14] =	dma.local @!p0 [hbm:s5], $0x4E0  }
0x1a: {  	s5 =	rddreg [dreg:$0x6]  }
0x1b: {  	[tilespmem:s4], [sflag:$0x1] =	stream.linear.gather [hbm4b:s5+s4], $0x2710, $0x38;
	[tilespmem:$0x8E38] =	vst v63  }
0x1c: {  	s7 =	simm.s32 $0x2710  }
0x1d: {  	[tilespmem:s7], [sflag:$0x2] =	stream.linear.gather [hbm4b:s8+s4], $0x2710, $0x38;
	[tilespmem:$0x8E38] =	vst v63  }
0x1e: {  	_ =	swait.ge [sflag:s17], $0x2710  }
0x1f: {  	[sflag:s17] =	ssyncset.done $0x0  }
0x20: {  	[sflag:s17] =	ssyncadd.s32 $0xFFFFD8F0  }
0x21: {  	_ =	swait.ge [sflag:s18], $0x2710  }
0x22: {  	[sflag:s18] =	ssyncset.done $0x0  }
0x23: {  	s5 =	simm.s32 @p0 $0x6;
	[sflag:s18] =	ssyncadd.s32 $0xFFFFD8F0  }
0x24: {  	_ =	swait.ge @p0 [sflag:s5], $0x500  }
0x25: {  	[sflag:s5] =	ssyncset.done @p0 $0x0  }
0x26: {  	[sflag:s5] =	ssyncadd.s32 @p0 $0xFFFFFB00;
	s5 =	simm.s32 @!p0 $0x6  }
0x27: {  	_ =	swait.ge @!p0 [sflag:s5], $0x4E0  }
0x28: {  	[sflag:s5] =	ssyncset.done @!p0 $0x0  }
0x29: {  	[sflag:s5] =	ssyncadd.s32 @!p0 $0xFFFFFB20  }
0x2a: {  	[bflag:$0x0] =	sbarrier.arrive $0xFFFF  }
0x2b: {  	[tilespmem:s20], [sflag:$0x1] =	stream.indirect.gather [hbm4b:s1+s19], $0x10, s4, s19, $0xb8;
	[tilespmem:$0x8E38] =	vst v63  }
0x2c: {  	_ = 	snop  }
0x2d: {  	[tilespmem:s21], [sflag:$0x2] =	stream.indirect.gather [hbm4b:s1+s19], $0x10, s19, s19, $0xb8;
	[tilespmem:$0x8E38] =	vst v63  }
0x2e: {  	s6 =	simm.s32 $0xA0  }
0x2f: {  	[tilespmem:s23], [sflag:$0x3] =	stream.indirect.gather [hbm4b:s1+s19], $0x10, s6, s19, $0xb8;
	[tilespmem:$0x8E38] =	vst v63  }
0x30: {  	s7 =	simm.s32 $0xF0  }
0x31: {  	[tilespmem:s25], [sflag:$0x4] =	stream.indirect.gather [hbm4b:s1+s19], $0x10, s7, s19, $0xb8;
	[tilespmem:$0x8E38] =	vst v63  }
0x32: {  	s6 =	simm.s32 $0x140  }
0x33: {  	[tilespmem:s28], [sflag:$0x5] =	stream.indirect.gather [hbm4b:s1+s19], $0x10, s6, s19, $0xb8;
	[tilespmem:$0x8E38] =	vst v63  }
0x34: {  	_ =	swait.ge [sflag:s17], $0x500  }
0x35: {  	[sflag:s17] =	ssyncset.done $0x0  }
0x36: {  	s7 =	simm.s32 $0x2710;
	[sflag:s17] =	ssyncadd.s32 $0xFFFFFB00  }
0x37: {  	[spmem:s3] =	stream.indirect.scatter.add.f32 [tilespmem:s20], [sflag:$0x6], $0x10, s7, s19, $0xb8;
	[tilespmem:$0x8E38] =	vst v63  }
0x38: {  	_ =	swait.ge [sflag:s18], $0x500  }
0x39: {  	[sflag:s18] =	ssyncset.done $0x0  }
0x3a: {  	s6 =	simm.s32 $0x2760;
	[sflag:s18] =	ssyncadd.s32 $0xFFFFFB00  }
0x3b: {  	[spmem:s3] =	stream.indirect.scatter.add.f32 [tilespmem:s21], [sflag:$0x7], $0x10, s6, s19, $0xb8;
	[tilespmem:$0x8E38] =	vst v63  }
0x3c: {  	_ =	swait.ge [sflag:s29], $0x500  }
0x3d: {  	[sflag:s29] =	ssyncset.done $0x0  }
0x3e: {  	s7 =	simm.s32 $0x27B0;
	[sflag:s29] =	ssyncadd.s32 $0xFFFFFB00  }
0x3f: {  	[spmem:s3] =	stream.indirect.scatter.add.f32 [tilespmem:s23], [sflag:$0x8], $0x10, s7, s19, $0xb8;
	[tilespmem:$0x8E38] =	vst v63  }
0x40: {  	_ =	swait.ge [sflag:s30], $0x500  }
0x41: {  	[sflag:s30] =	ssyncset.done $0x0  }
0x42: {  	s6 =	simm.s32 $0x2800;
	[sflag:s30] =	ssyncadd.s32 $0xFFFFFB00  }
0x43: {  	[spmem:s3] =	stream.indirect.scatter.add.f32 [tilespmem:s25], [sflag:$0x9], $0x10, s6, s19, $0xb8;
	[tilespmem:$0x8E38] =	vst v63  }
0x44: {  	_ =	swait.ge [sflag:s31], $0x500  }
0x45: {  	[sflag:s31] =	ssyncset.done $0x0  }
0x46: {  	s7 =	simm.s32 $0x2850;
	[sflag:s31] =	ssyncadd.s32 $0xFFFFFB00  }
0x47: {  	[spmem:s3] =	stream.indirect.scatter.add.f32 [tilespmem:s28], [sflag:$0xA], $0x10, s7, s19, $0xb8;
	[tilespmem:$0x8E38] =	vst v63  }
0x48: {  	_ =	swait.ge [sflag:s2], $0x500  }
0x49: {  	[sflag:s2] =	ssyncset.done $0x0  }
0x4a: {  	s6 =	simm.s32 $0x190;
	[sflag:s2] =	ssyncadd.s32 $0xFFFFFB00  }
0x4b: {  	[tilespmem:s20], [sflag:$0x1] =	stream.indirect.gather [hbm4b:s1+s19], $0x10, s6, s19, $0xb8;
	[tilespmem:$0x8E38] =	vst v63  }
0x4c: {  	_ =	swait.ge [sflag:s0], $0x500  }
0x4d: {  	[sflag:s0] =	ssyncset.done $0x0  }
0x4e: {  	s7 =	simm.s32 $0x1E0;
	[sflag:s0] =	ssyncadd.s32 $0xFFFFFB00  }
0x4f: {  	[tilespmem:s21], [sflag:$0x2] =	stream.indirect.gather [hbm4b:s1+s19], $0x10, s7, s19, $0xb8;
	[tilespmem:$0x8E38] =	vst v63  }
0x50: {  	_ =	swait.ge [sflag:s16], $0x500  }
0x51: {  	[sflag:s16] =	ssyncset.done $0x0  }
0x52: {  	s6 =	simm.s32 $0x230;
	[sflag:s16] =	ssyncadd.s32 $0xFFFFFB00  }
0x53: {  	[tilespmem:s23], [sflag:$0x3] =	stream.indirect.gather [hbm4b:s1+s19], $0x10, s6, s19, $0xb8;
	[tilespmem:$0x8E38] =	vst v63  }
0x54: {  	_ =	swait.ge [sflag:s22], $0x500  }
0x55: {  	[sflag:s22] =	ssyncset.done $0x0  }
0x56: {  	s7 =	simm.s32 $0x280;
	[sflag:s22] =	ssyncadd.s32 $0xFFFFFB00  }
0x57: {  	[tilespmem:s25], [sflag:$0x4] =	stream.indirect.gather [hbm4b:s1+s19], $0x10, s7, s19, $0xb8;
	[tilespmem:$0x8E38] =	vst v63  }
0x58: {  	_ =	swait.ge [sflag:s24], $0x500  }
0x59: {  	[sflag:s24] =	ssyncset.done $0x0  }
0x5a: {  	s5 =	simm.s32 $0x640;
	s6 =	simm.s32 $0x2D0;
	[sflag:s24] =	ssyncadd.s32 $0xFFFFFB00  }
.LBB2_2:
0x5b: {  	[tilespmem:s28], [sflag:$0x5] =	stream.indirect.gather [hbm4b:s1+s19], $0x10, s6, s19, $0xb8;
	[tilespmem:$0x8E38] =	vst v63  }
0x5c: {  	s6 =	smov.u32 s5  }
0x5d: {  	p1 =	sne.s32 s5, $0x8FC0;
	s5 =	sadd.s32 $0x640, s5;
	_ =	swait.ge [sflag:s17], $0x500  }
0x5e: {  	s6 =	sshra.s32 s6, $0x2;
	[sflag:s17] =	ssyncset.done $0x0  }
0x5f: {  	s7 =	sadd.s32 $0x2710, s6;
	[sflag:s17] =	ssyncadd.s32 $0xFFFFFB00  }
0x60: {  	[spmem:s3] =	stream.indirect.scatter.add.f32 [tilespmem:s20], [sflag:$0x6], $0x10, s7, s19, $0xb8;
	[tilespmem:$0x8E38] =	vst v63  }
0x61: {  	_ =	swait.ge [sflag:s18], $0x500  }
0x62: {  	[sflag:s18] =	ssyncset.done $0x0  }
0x63: {  	s7 =	sadd.s32 $0x2760, s6;
	[sflag:s18] =	ssyncadd.s32 $0xFFFFFB00  }
0x64: {  	[spmem:s3] =	stream.indirect.scatter.add.f32 [tilespmem:s21], [sflag:$0x7], $0x10, s7, s19, $0xb8;
	[tilespmem:$0x8E38] =	vst v63  }
0x65: {  	_ =	swait.ge [sflag:s29], $0x500  }
0x66: {  	[sflag:s29] =	ssyncset.done $0x0  }
0x67: {  	s7 =	sadd.s32 $0x27B0, s6;
	[sflag:s29] =	ssyncadd.s32 $0xFFFFFB00  }
0x68: {  	[spmem:s3] =	stream.indirect.scatter.add.f32 [tilespmem:s23], [sflag:$0x8], $0x10, s7, s19, $0xb8;
	[tilespmem:$0x8E38] =	vst v63  }
0x69: {  	_ =	swait.ge [sflag:s30], $0x500  }
0x6a: {  	[sflag:s30] =	ssyncset.done $0x0  }
0x6b: {  	s7 =	sadd.s32 $0x2800, s6;
	[sflag:s30] =	ssyncadd.s32 $0xFFFFFB00  }
0x6c: {  	[spmem:s3] =	stream.indirect.scatter.add.f32 [tilespmem:s25], [sflag:$0x9], $0x10, s7, s19, $0xb8;
	[tilespmem:$0x8E38] =	vst v63  }
0x6d: {  	_ =	swait.ge [sflag:s31], $0x500  }
0x6e: {  	[sflag:s31] =	ssyncset.done $0x0  }
0x6f: {  	s7 =	sadd.s32 $0x2850, s6;
	[sflag:s31] =	ssyncadd.s32 $0xFFFFFB00  }
0x70: {  	[spmem:s3] =	stream.indirect.scatter.add.f32 [tilespmem:s28], [sflag:$0xA], $0x10, s7, s19, $0xb8;
	[tilespmem:$0x8E38] =	vst v63  }
0x71: {  	_ =	swait.ge [sflag:s2], $0x500  }
0x72: {  	[sflag:s2] =	ssyncset.done $0x0  }
0x73: {  	s7 =	sadd.s32 $0x190, s6;
	[sflag:s2] =	ssyncadd.s32 $0xFFFFFB00  }
0x74: {  	[tilespmem:s20], [sflag:$0x1] =	stream.indirect.gather [hbm4b:s1+s19], $0x10, s7, s19, $0xb8;
	[tilespmem:$0x8E38] =	vst v63  }
0x75: {  	_ =	swait.ge [sflag:s0], $0x500  }
0x76: {  	[sflag:s0] =	ssyncset.done $0x0  }
0x77: {  	s7 =	sadd.s32 $0x1E0, s6;
	[sflag:s0] =	ssyncadd.s32 $0xFFFFFB00  }
0x78: {  	[tilespmem:s21], [sflag:$0x2] =	stream.indirect.gather [hbm4b:s1+s19], $0x10, s7, s19, $0xb8;
	[tilespmem:$0x8E38] =	vst v63  }
0x79: {  	_ =	swait.ge [sflag:s16], $0x500  }
0x7a: {  	[sflag:s16] =	ssyncset.done $0x0  }
0x7b: {  	s7 =	sadd.s32 $0x230, s6;
	[sflag:s16] =	ssyncadd.s32 $0xFFFFFB00  }
0x7c: {  	[tilespmem:s23], [sflag:$0x3] =	stream.indirect.gather [hbm4b:s1+s19], $0x10, s7, s19, $0xb8;
	[tilespmem:$0x8E38] =	vst v63  }
0x7d: {  	_ =	swait.ge [sflag:s22], $0x500  }
0x7e: {  	[sflag:s22] =	ssyncset.done $0x0  }
.Ltmp0:
0x7f: {  	s7 =	sadd.s32 $0x280, s6;
	[sflag:s22] =	ssyncadd.s32 $0xFFFFFB00;
	(pc) =	sbr.rel @p1 .LBB2_2-.Ltmp0, $4  }
0x80: {  	[tilespmem:s25], [sflag:$0x4] =	stream.indirect.gather [hbm4b:s1+s19], $0x10, s7, s19, $0xb8;
	[tilespmem:$0x8E38] =	vst v63  }
0x81: {  	_ =	swait.ge [sflag:s24], $0x500  }
0x82: {  	[sflag:s24] =	ssyncset.done $0x0  }
0x83: {  	s6 =	sadd.s32 $0x2D0, s6;
	[sflag:s24] =	ssyncadd.s32 $0xFFFFFB00  }
0x84: {  	[tilespmem:s28], [sflag:$0x5] =	stream.indirect.gather [hbm4b:s1+s19], $0x10, s6, s19, $0xb8;
	[tilespmem:$0x8E38] =	vst v63  }
0x85: {  	_ =	swait.ge [sflag:s17], $0x500  }
0x86: {  	[sflag:s17] =	ssyncset.done $0x0  }
0x87: {  	s5 =	simm.s32 $0x4C90;
	[sflag:s17] =	ssyncadd.s32 $0xFFFFFB00  }
0x88: {  	[spmem:s3] =	stream.indirect.scatter.add.f32 [tilespmem:s20], [sflag:$0x6], $0x10, s5, s19, $0xb8;
	[tilespmem:$0x8E38] =	vst v63  }
0x89: {  	_ =	swait.ge [sflag:s18], $0x500  }
0x8a: {  	[sflag:s18] =	ssyncset.done $0x0  }
0x8b: {  	s6 =	simm.s32 $0x4CE0;
	[sflag:s18] =	ssyncadd.s32 $0xFFFFFB00  }
0x8c: {  	[spmem:s3] =	stream.indirect.scatter.add.f32 [tilespmem:s21], [sflag:$0x7], $0x10, s6, s19, $0xb8;
	[tilespmem:$0x8E38] =	vst v63  }
0x8d: {  	_ =	swait.ge [sflag:s29], $0x500  }
0x8e: {  	[sflag:s29] =	ssyncset.done $0x0  }
0x8f: {  	s7 =	simm.s32 $0x4D30;
	[sflag:s29] =	ssyncadd.s32 $0xFFFFFB00  }
0x90: {  	[spmem:s3] =	stream.indirect.scatter.add.f32 [tilespmem:s23], [sflag:$0x8], $0x10, s7, s19, $0xb8;
	[tilespmem:$0x8E38] =	vst v63  }
0x91: {  	_ =	swait.ge [sflag:s30], $0x500  }
0x92: {  	[sflag:s30] =	ssyncset.done $0x0  }
0x93: {  	s6 =	simm.s32 $0x4D80;
	[sflag:s30] =	ssyncadd.s32 $0xFFFFFB00  }
0x94: {  	[spmem:s3] =	stream.indirect.scatter.add.f32 [tilespmem:s25], [sflag:$0x9], $0x10, s6, s19, $0xb8;
	[tilespmem:$0x8E38] =	vst v63  }
0x95: {  	_ =	swait.ge [sflag:s31], $0x500  }
0x96: {  	[sflag:s31] =	ssyncset.done $0x0  }
0x97: {  	s7 =	simm.s32 $0x4DD0;
	[sflag:s31] =	ssyncadd.s32 $0xFFFFFB00  }
0x98: {  	[spmem:s3] =	stream.indirect.scatter.add.f32 [tilespmem:s28], [sflag:$0xA], $0x10, s7, s19, $0xb8;
	[tilespmem:$0x8E38] =	vst v63  }
0x99: {  	_ =	swait.ge [sflag:s2], $0x500  }
0x9a: {  	[sflag:s2] =	ssyncset.done $0x0  }
0x9b: {  	[sflag:s2] =	ssyncadd.s32 $0xFFFFFB00  }
0x9c: {  	_ =	swait.ge [sflag:s0], $0x500  }
0x9d: {  	[sflag:s0] =	ssyncset.done $0x0  }
0x9e: {  	[sflag:s0] =	ssyncadd.s32 $0xFFFFFB00  }
0x9f: {  	_ =	swait.ge [sflag:s16], $0x500  }
0xa0: {  	[sflag:s16] =	ssyncset.done $0x0  }
0xa1: {  	[sflag:s16] =	ssyncadd.s32 $0xFFFFFB00  }
0xa2: {  	_ =	swait.ge [sflag:s22], $0x500  }
0xa3: {  	[sflag:s22] =	ssyncset.done $0x0  }
0xa4: {  	[sflag:s22] =	ssyncadd.s32 $0xFFFFFB00  }
0xa5: {  	_ =	swait.ge [sflag:s24], $0x500  }
0xa6: {  	[sflag:s24] =	ssyncset.done $0x0  }
0xa7: {  	[sflag:s24] =	ssyncadd.s32 $0xFFFFFB00  }
0xa8: {  	s5 =	simm.s32 @p0 $0x1FCB;
	[bflag:$0x0] =	sbarrier.arrive $0xFFFF  }
0xa9: {  	[hbm:s10], [sflag:s5] =	dma.local @p0 [spmem:s13], $0x500  }
0xaa: {  	s5 =	simm.s32 @p0 $0xB  }
0xab: {  	_ =	swait.ge @p0 [sflag:s5], $0x500  }
0xac: {  	s26 =	sadd.s32 $0x1, s26;
	[sflag:s5] =	ssyncset.done @p0 $0x0  }
0xad: {  	p1 =	sne.s32 s26, s12;
	[sflag:s5] =	ssyncadd.s32 @p0 $0xFFFFFB00;
	s5 =	sor.u32 @!p0 $0x1C0B, s11  }
0xae: {  	[hbm:s9], [sflag:s5] =	dma.local @!p0 [spmem:s15], $0x4E0  }
.Ltmp1:
0xaf: {  	_ = 	snop;
	(pc) =	sbr.rel @p1 .LBB2_1-.Ltmp1, $4  }
0xb0: {  	s5 =	simm.s32 @!p0 $0xB  }
0xb1: {  	_ =	swait.ge @!p0 [sflag:s5], $0x4E0  }
0xb2: {  	[sflag:s5] =	ssyncset.done @!p0 $0x0  }
0xb3: {  	[sflag:s5] =	ssyncadd.s32 @!p0 $0xFFFFFB20  }
0xb4: {  	_ =	sfence.sel $0x180000  }
0xb5: {  	[bflag:$0x0] =	sbarrier.arrive $0xFFFF  }
0xb6: {  	_ =	strace $0x9000004A  }
0xb7: {  	s0 =	stileid.u32;
	[bflag:$0x2] =	sbarrier.arrive $0xFFFF  }
0xb8: {  	p0 =	sne.s32 s0, $0x0;
	s0 =	rddreg [dreg:$0x3]  }
0xb9: {  	s0 =	sadd.s32 @!p0 $0x100000, s0  }
0xba: {  	[sflag:s0] =	ssyncadd.tile.s32 @!p0 $0x1;
	_ =	shalt  }
.Lfunc_end2:
_tile_overlayer_lowered:
.L_overlay_start_2:
0xbb: {  	(tag) =	ssettag $0x2  }
0xbc: {  	s0 =	rddreg [dreg:$0x0];
	s2 =	stileid.u32  }
0xbd: {  	s1 =	rddreg [dreg:$0x1];
	p0 =	sne.s32 s2, $0x0  }
0xbe: {  	s3 =	rddreg [dreg:$0x2];
	[bflag:$0x3] =	sbarrier.arrive $0xFFFF;
	s2 =	simm.s32 @!p0 $0x1C0B  }
0xbf: {  	[timem:s3], [sflag:s2] =	dma.local @!p0 [hbm:s0], s1  }
0xc0: {  	s0 =	simm.s32 @!p0 $0xB  }
0xc1: {  	_ =	swait.ge @!p0 [sflag:s0], s1  }
0xc2: {  	s1 =	ssub.s32 @!p0 $0x0, s1;
	[sflag:s0] =	ssyncset.done @!p0 $0x0  }
0xc3: {  	[sflag:s0] =	ssyncadd.s32 @!p0 s1  }
0xc4: {  	[bflag:$0x3] =	sbarrier.arrive $0xFFFF  }
0xc5: {  	_ =	shalt  }

</sc_bundles>
